<compile_context>
chip_gen: v7x
topology: tpu7x:2x2x1
jax: 0.10.2.dev20260603
libtpu: 0.0.44.dev20260713+nightly
codegen_flags: <defaults>
</compile_context>

<pallas_src>
import functools

import numpy as np
import jax
import jax.numpy as jnp
from jax import lax
from jax.experimental import pallas as pl
from jax.experimental.pallas import tpu as pltpu
from jax.experimental.pallas import tpu_sc as plsc

B = 4096
S = 26
D = 64
V = 1000000
NT = S + 1
T0, T1 = 512, 256
H0, H1 = 512, 256
NW = 32
ROWS = B * S
CHUNK = 128
CPW = ROWS // (NW * CHUNK)
PW = ROWS // NW

_sc_mesh = plsc.VectorSubcoreMesh(core_axis_name="c", subcore_axis_name="s")


@functools.partial(
    pl.kernel,
    mesh=_sc_mesh,
    out_type=jax.ShapeDtypeStruct((ROWS, D), jnp.float32),
    scratch_types=[
        pltpu.VMEM((CPW, CHUNK), jnp.int32),
        pltpu.VMEM((2, CHUNK, D), jnp.float32),
        pltpu.SemaphoreType.DMA,
        pltpu.SemaphoreType.DMA,
    ],
    compiler_params=pltpu.CompilerParams(use_tc_tiling_on_sc=False),
)
def _sc_gather(table_hbm, idx_hbm, out_hbm, idx_v, rows_v, sem0, sem1):
    wid = lax.axis_index("s") * 2 + lax.axis_index("c")
    pltpu.sync_copy(idx_hbm.at[wid], idx_v)
    base = wid * PW

    pltpu.async_copy(table_hbm.at[idx_v.at[0]], rows_v.at[0], sem0)

    def body(j2, carry):
        je = j2 * 2
        jo = je + 1
        pltpu.make_async_copy(table_hbm.at[idx_v.at[je]], rows_v.at[0],
                              sem0).wait()
        pltpu.async_copy(table_hbm.at[idx_v.at[jo]], rows_v.at[1], sem1)
        pltpu.sync_copy(rows_v.at[0],
                        out_hbm.at[pl.ds(base + je * CHUNK, CHUNK)])
        pltpu.make_async_copy(table_hbm.at[idx_v.at[jo]], rows_v.at[1],
                              sem1).wait()

        @pl.when(j2 * 2 + 2 < CPW)
        def _():
            pltpu.async_copy(table_hbm.at[idx_v.at[je + 2]], rows_v.at[0],
                             sem0)

        pltpu.sync_copy(rows_v.at[1],
                        out_hbm.at[pl.ds(base + jo * CHUNK, CHUNK)])
        return carry

    lax.fori_loop(0, CPW // 2, body, 0)


BLK = 1024


def _bot_body(dxt, w0, b0, w1, b1, w2, b2, out):
    x = jnp.maximum(w0[...] @ dxt[...] + b0[...], 0.0)
    x = jnp.maximum(w1[...] @ x + b1[...], 0.0)
    out[...] = jnp.maximum(w2[...] @ x + b2[...], 0.0)


def _bot_call(dxt, w0, b0, w1, b1, w2, b2):
    full = lambda shape: pl.BlockSpec(shape, lambda i: (0, 0))
    return pl.pallas_call(
        _bot_body,
        grid=(B // BLK,),
        in_specs=[
            pl.BlockSpec((13, BLK), lambda i: (0, i)),
            full((H0, 13)), full((H0, 1)),
            full((H1, H0)), full((H1, 1)),
            full((D, H1)), full((D, 1)),
        ],
        out_specs=pl.BlockSpec((D, BLK), lambda i: (0, i)),
        out_shape=jax.ShapeDtypeStruct((D, B), jnp.float32),
    )(dxt, w0, b0, w1, b1, w2, b2)


def _top_body(xt, embt, w0a, wpt, tb0, tw1, tb1, tw2, tb2, out):
    x = xt[...]
    E = embt[...]
    acc = w0a[...] @ x + tb0[...]
    for m in range(S):
        tm = x if m == 0 else E[m - 1]
        z = jnp.sum(E[m:] * tm[None, :, :], axis=1)
        acc = acc + wpt[m][:, m:] @ z
    y = jnp.maximum(acc, 0.0)
    y = jnp.maximum(tw1[...] @ y + tb1[...], 0.0)
    out[...] = jax.nn.sigmoid(tw2[...] @ y + tb2[...])


def _top_call(xt, embt, w0a, wpt, tb0, tw1, tb1, tw2, tb2):
    full = lambda shape: pl.BlockSpec(shape, lambda i: tuple(0 for _ in shape))
    return pl.pallas_call(
        _top_body,
        grid=(B // BLK,),
        in_specs=[
            pl.BlockSpec((D, BLK), lambda i: (0, i)),
            pl.BlockSpec((S, D, BLK), lambda i: (0, 0, i)),
            full((T0, D)),
            full((S, T0, S)),
            full((T0, 1)),
            full((T1, T0)), full((T1, 1)),
            full((1, T1)), full((1, 1)),
        ],
        out_specs=pl.BlockSpec((1, BLK), lambda i: (0, i)),
        out_shape=jax.ShapeDtypeStruct((1, B), jnp.float32),
    )(xt, embt, w0a, wpt, tb0, tw1, tb1, tw2, tb2)


_NI, _NJ = np.tril_indices(NT, -1)


def kernel(dense_x, emb_table, bot_W0, bot_b0, bot_W1, bot_b1, bot_W2, bot_b2,
           top_W0, top_b0, top_W1, top_b1, top_W2, top_b2, sparse_idx):
    si = sparse_idx.astype(jnp.int32).T
    idx2 = si.reshape(NW, CPW, CHUNK)
    emb_flat = _sc_gather(emb_table, idx2)
    embt = jnp.swapaxes(emb_flat.reshape(S, B, D), 1, 2)

    xt = _bot_call(dense_x.T, bot_W0, bot_b0.reshape(-1, 1),
                   bot_W1, bot_b1.reshape(-1, 1),
                   bot_W2, bot_b2.reshape(-1, 1))

    wpt = jnp.zeros((S, T0, S), jnp.float32).at[_NJ, :, _NI - 1].set(top_W0[:, D:].T)
    w0a = top_W0[:, :D]

    pt = _top_call(xt, embt, w0a, wpt, top_b0.reshape(-1, 1),
                   top_W1, top_b1.reshape(-1, 1),
                   top_W2, top_b2.reshape(-1, 1))
    return pt.reshape(B, 1)

# --- scband reference (transcript-rebuilt; emitter-appended) ---
"""Pipeline reference for scband-dist-train-model-6201932775968 (READ-ONLY COPY).

The authoritative reference and input builder live on the scoring server;
editing this copy changes nothing except your own understanding.
"""

import jax, jax.numpy as jnp
import numpy as np

B = 4096
S = 26
D = 64
V = 1000000
LN_BOT = [13, 512, 256, 64]
LN_TOP = [415, 512, 256, 1]


def _make_linear(key, n, m):
    kw, kb = jax.random.split(key)
    std_w = np.sqrt(2.0 / (m + n)).astype(np.float32)
    std_b = np.sqrt(1.0 / m).astype(np.float32)
    W = jax.random.normal(kw, (m, n), dtype=jnp.float32) * std_w
    b = jax.random.normal(kb, (m,), dtype=jnp.float32) * std_b
    return W, b


def setup_inputs(seed: int = 0):
    key = jax.random.key(seed)
    ks = jax.random.split(key, 9)
    dense_x = jax.random.normal(ks[0], (B, LN_BOT[0]), dtype=jnp.float32)
    emb_table = jax.random.normal(ks[1], (V, D), dtype=jnp.float32) * 0.01
    sparse_idx = jax.random.randint(ks[2], (B, S), 0, V)
    bot_W0, bot_b0 = _make_linear(ks[3], LN_BOT[0], LN_BOT[1])
    bot_W1, bot_b1 = _make_linear(ks[4], LN_BOT[1], LN_BOT[2])
    bot_W2, bot_b2 = _make_linear(ks[5], LN_BOT[2], LN_BOT[3])
    top_W0, top_b0 = _make_linear(ks[6], LN_TOP[0], LN_TOP[1])
    top_W1, top_b1 = _make_linear(ks[7], LN_TOP[1], LN_TOP[2])
    top_W2, top_b2 = _make_linear(ks[8], LN_TOP[2], LN_TOP[3])
    return {
        'dense_x': dense_x,
        'emb_table': emb_table,
        'bot_W0': bot_W0, 'bot_b0': bot_b0,
        'bot_W1': bot_W1, 'bot_b1': bot_b1,
        'bot_W2': bot_W2, 'bot_b2': bot_b2,
        'top_W0': top_W0, 'top_b0': top_b0,
        'top_W1': top_W1, 'top_b1': top_b1,
        'top_W2': top_W2, 'top_b2': top_b2,
        'sparse_idx': sparse_idx,
    }


def reference(dense_x, emb_table, bot_W0, bot_b0, bot_W1, bot_b1, bot_W2, bot_b2,
              top_W0, top_b0, top_W1, top_b1, top_W2, top_b2, sparse_idx):
    # bottom MLP (sigmoid_bot=-1 -> relu on every layer)
    x = jax.nn.relu(dense_x @ bot_W0.T + bot_b0)
    x = jax.nn.relu(x @ bot_W1.T + bot_b1)
    x = jax.nn.relu(x @ bot_W2.T + bot_b2)
    # embedding gather from the (cache-backed) embedding memory
    ly = jnp.take(emb_table, sparse_idx, axis=0)  # [B, S, D]
    # dot feature interaction, interact_itself=False -> strict lower triangle
    T = jnp.concatenate([x[:, None, :], ly], axis=1)  # [B, S+1, D]
    Z = jnp.einsum('bnd,bmd->bnm', T, T)
    ni, nj = np.tril_indices(S + 1, k=-1)
    Zflat = Z[:, ni, nj]  # [B, (S+1)*S/2]
    R = jnp.concatenate([x, Zflat], axis=1)  # [B, 415]
    # top MLP (sigmoid_top=2 -> sigmoid on final layer)
    y = jax.nn.relu(R @ top_W0.T + top_b0)
    y = jax.nn.relu(y @ top_W1.T + top_b1)
    p = jax.nn.sigmoid(y @ top_W2.T + top_b2)
    return p

if __name__ == "__main__":
    import jax
    _d = setup_inputs()
    print(jax.jit(kernel)(*tuple(_d.values())))

</pallas_src>

<mosaic_0001>
#map = affine_map<(d0, d1) -> (0, 0)>
#map1 = affine_map<(d0, d1) -> (0, 0, 0)>
module attributes {stable_mosaic.version = 14 : i64} {
  func.func @_sc_gather(%arg0: i32, %arg1: i32, %arg2: memref<1000000x64xf32, #tpu.memory_space<hbm>>, %arg3: memref<32x26x128xi32, #tpu.memory_space<hbm>>, %arg4: memref<106496x64xf32, #tpu.memory_space<hbm>>, %arg5: memref<26x128xi32, #tpu.memory_space<vmem>>, %arg6: memref<2x128x64xf32, #tpu.memory_space<vmem>>, %arg7: memref<!tpu.dma_semaphore, #tpu.memory_space<semaphore_mem>>, %arg8: memref<!tpu.dma_semaphore, #tpu.memory_space<semaphore_mem>>) attributes {dimension_semantics = [#tpu.dimension_semantics<core_parallel>, #tpu.dimension_semantics<subcore_parallel>], iteration_bounds = array<i64: 2, 16>, scalar_prefetch = 0 : i64, scratch_operands = 4 : i64, tpu.core_type = #tpu.core_type<sc_vector_subcore>, window_params = [{transform_indices = #map}, {transform_indices = #map1}, {transform_indices = #map}]} {
    %mul3A = arith.constant 2 : i32
    %mul3A_0 = arith.muli %arg1, %mul3A : i32
    %add3A = arith.addi %mul3A_0, %arg0 : i32
    "tpu.region"() ({
      %run_scoped3A = tpu.sem_alloc : memref<!tpu.dma_semaphore, #tpu.memory_space<semaphore_mem>>
      %dma_start3A_19 = arith.constant 0 : i32
      %dma_start3A_20 = arith.constant 0 : i32
      %dma_start3A_21 = tpu.memref_slice %arg3[%add3A, %dma_start3A_19, %dma_start3A_20] : memref<32x26x128xi32, #tpu.memory_space<hbm>> -> memref<1x26x128xi32, #tpu.memory_space<hbm>>
      %dma_start3A_22 = tpu.memref_squeeze %dma_start3A_21 : memref<1x26x128xi32, #tpu.memory_space<hbm>> -> memref<26x128xi32, #tpu.memory_space<hbm>>
      %dma_start3A_23 = arith.constant 0 : i32
      %dma_start3A_24 = arith.constant 0 : i32
      %dma_start3A_25 = tpu.memref_slice %arg3[%add3A, %dma_start3A_23, %dma_start3A_24] : memref<32x26x128xi32, #tpu.memory_space<hbm>> -> memref<1x26x128xi32, #tpu.memory_space<hbm>>
      %dma_start3A_26 = tpu.memref_squeeze %dma_start3A_25 : memref<1x26x128xi32, #tpu.memory_space<hbm>> -> memref<26x128xi32, #tpu.memory_space<hbm>>
      tpu.enqueue_dma source(%dma_start3A_26 : memref<26x128xi32, #tpu.memory_space<hbm>>) target(%arg5 : memref<26x128xi32, #tpu.memory_space<vmem>>) target_semaphore(%run_scoped3A : memref<!tpu.dma_semaphore, #tpu.memory_space<semaphore_mem>>)
      %dma_wait3A = arith.constant 0 : i32
      %dma_wait3A_27 = arith.constant 0 : i32
      %dma_wait3A_28 = tpu.memref_slice %arg3[%add3A, %dma_wait3A, %dma_wait3A_27] : memref<32x26x128xi32, #tpu.memory_space<hbm>> -> memref<1x26x128xi32, #tpu.memory_space<hbm>>
      %dma_wait3A_29 = tpu.memref_squeeze %dma_wait3A_28 : memref<1x26x128xi32, #tpu.memory_space<hbm>> -> memref<26x128xi32, #tpu.memory_space<hbm>>
      %dma_wait3A_30 = arith.constant 0 : i32
      %dma_wait3A_31 = arith.constant 0 : i32
      %dma_wait3A_32 = tpu.memref_slice %arg3[%add3A, %dma_wait3A_30, %dma_wait3A_31] : memref<32x26x128xi32, #tpu.memory_space<hbm>> -> memref<1x26x128xi32, #tpu.memory_space<hbm>>
      %dma_wait3A_33 = tpu.memref_squeeze %dma_wait3A_32 : memref<1x26x128xi32, #tpu.memory_space<hbm>> -> memref<26x128xi32, #tpu.memory_space<hbm>>
      tpu.wait_dma2 semaphore(%run_scoped3A : memref<!tpu.dma_semaphore, #tpu.memory_space<semaphore_mem>>) src(%dma_wait3A_33 : memref<26x128xi32, #tpu.memory_space<hbm>>) dst(%arg5 : memref<26x128xi32, #tpu.memory_space<vmem>>)
      tpu.yield
    }) : () -> ()
    %mul3A_1 = arith.constant 3328 : i32
    %mul3A_2 = arith.muli %add3A, %mul3A_1 : i32
    %dma_start3A = arith.constant 0 : i32
    %dma_start3A_3 = arith.constant 0 : i32
    %dma_start3A_4 = arith.constant 0 : i32
    %dma_start3A_5 = arith.constant 0 : i32
    %dma_start3A_6 = tpu.memref_slice %arg6[%dma_start3A_3, %dma_start3A_4, %dma_start3A_5] : memref<2x128x64xf32, #tpu.memory_space<vmem>> -> memref<1x128x64xf32, #tpu.memory_space<vmem>>
    %dma_start3A_7 = tpu.memref_squeeze %dma_start3A_6 : memref<1x128x64xf32, #tpu.memory_space<vmem>> -> memref<128x64xf32, #tpu.memory_space<vmem>>
    %dma_start3A_8 = arith.constant 0 : i32
    %dma_start3A_9 = tpu.memref_slice %arg5[%dma_start3A, %dma_start3A_8] : memref<26x128xi32, #tpu.memory_space<vmem>> -> memref<1x128xi32, #tpu.memory_space<vmem>>
    %dma_start3A_10 = tpu.memref_squeeze %dma_start3A_9 : memref<1x128xi32, #tpu.memory_space<vmem>> -> memref<128xi32, #tpu.memory_space<vmem>>
    %dma_start3A_11 = arith.constant 0 : i32
    %dma_start3A_12 = arith.constant 0 : i32
    %dma_start3A_13 = tpu.memref_slice %arg2[%dma_start3A_11, %dma_start3A_12] : memref<1000000x64xf32, #tpu.memory_space<hbm>> -> memref<1000000x64xf32, #tpu.memory_space<hbm>>
    tpu.enqueue_indirect_dma source(%dma_start3A_13 : memref<1000000x64xf32, #tpu.memory_space<hbm>>) target(%dma_start3A_7 : memref<128x64xf32, #tpu.memory_space<vmem>>) offsets(%dma_start3A_10 : memref<128xi32, #tpu.memory_space<vmem>>) semaphore(%arg7 : memref<!tpu.dma_semaphore, #tpu.memory_space<semaphore_mem>>)
    %scan3A = arith.constant 0 : i32
    %scan3A_14 = arith.constant 0 : i32
    %scan3A_15 = arith.constant 13 : i32
    %scan3A_16 = arith.addi %scan3A_14, %scan3A_15 : i32
    %scan3A_17 = arith.constant 1 : i32
    scf.for %scan3A_19 = %scan3A_14 to %scan3A_16 step %scan3A_17  : i32 {
      %mul3A_20 = arith.constant 2 : i32
      %mul3A_21 = arith.muli %scan3A_19, %mul3A_20 : i32
      %add3A_22 = arith.constant 1 : i32
      %add3A_23 = arith.addi %mul3A_21, %add3A_22 : i32
      %dma_wait3A = arith.constant 0 : i32
      %dma_wait3A_24 = arith.constant 0 : i32
      %dma_wait3A_25 = arith.constant 0 : i32
      %dma_wait3A_26 = tpu.memref_slice %arg6[%dma_wait3A, %dma_wait3A_24, %dma_wait3A_25] : memref<2x128x64xf32, #tpu.memory_space<vmem>> -> memref<1x128x64xf32, #tpu.memory_space<vmem>>
      %dma_wait3A_27 = tpu.memref_squeeze %dma_wait3A_26 : memref<1x128x64xf32, #tpu.memory_space<vmem>> -> memref<128x64xf32, #tpu.memory_space<vmem>>
      %dma_wait3A_28 = arith.constant 0 : i32
      %dma_wait3A_29 = tpu.memref_slice %arg5[%mul3A_21, %dma_wait3A_28] : memref<26x128xi32, #tpu.memory_space<vmem>> -> memref<1x128xi32, #tpu.memory_space<vmem>>
      %dma_wait3A_30 = tpu.memref_squeeze %dma_wait3A_29 : memref<1x128xi32, #tpu.memory_space<vmem>> -> memref<128xi32, #tpu.memory_space<vmem>>
      %dma_wait3A_31 = arith.constant 0 : i32
      %dma_wait3A_32 = arith.constant 0 : i32
      %dma_wait3A_33 = tpu.memref_slice %arg2[%dma_wait3A_31, %dma_wait3A_32] : memref<1000000x64xf32, #tpu.memory_space<hbm>> -> memref<1000000x64xf32, #tpu.memory_space<hbm>>
      tpu.wait_indirect_dma semaphore(%arg7 : memref<!tpu.dma_semaphore, #tpu.memory_space<semaphore_mem>>) src(%dma_wait3A_33 : memref<1000000x64xf32, #tpu.memory_space<hbm>>) dst(%dma_wait3A_27 : memref<128x64xf32, #tpu.memory_space<vmem>>)
      %dma_start3A_34 = arith.constant 1 : i32
      %dma_start3A_35 = arith.constant 0 : i32
      %dma_start3A_36 = arith.constant 0 : i32
      %dma_start3A_37 = tpu.memref_slice %arg6[%dma_start3A_34, %dma_start3A_35, %dma_start3A_36] : memref<2x128x64xf32, #tpu.memory_space<vmem>> -> memref<1x128x64xf32, #tpu.memory_space<vmem>>
      %dma_start3A_38 = tpu.memref_squeeze %dma_start3A_37 : memref<1x128x64xf32, #tpu.memory_space<vmem>> -> memref<128x64xf32, #tpu.memory_space<vmem>>
      %dma_start3A_39 = arith.constant 0 : i32
      %dma_start3A_40 = tpu.memref_slice %arg5[%add3A_23, %dma_start3A_39] : memref<26x128xi32, #tpu.memory_space<vmem>> -> memref<1x128xi32, #tpu.memory_space<vmem>>
      %dma_start3A_41 = tpu.memref_squeeze %dma_start3A_40 : memref<1x128xi32, #tpu.memory_space<vmem>> -> memref<128xi32, #tpu.memory_space<vmem>>
      %dma_start3A_42 = arith.constant 0 : i32
      %dma_start3A_43 = arith.constant 0 : i32
      %dma_start3A_44 = tpu.memref_slice %arg2[%dma_start3A_42, %dma_start3A_43] : memref<1000000x64xf32, #tpu.memory_space<hbm>> -> memref<1000000x64xf32, #tpu.memory_space<hbm>>
      tpu.enqueue_indirect_dma source(%dma_start3A_44 : memref<1000000x64xf32, #tpu.memory_space<hbm>>) target(%dma_start3A_38 : memref<128x64xf32, #tpu.memory_space<vmem>>) offsets(%dma_start3A_41 : memref<128xi32, #tpu.memory_space<vmem>>) semaphore(%arg8 : memref<!tpu.dma_semaphore, #tpu.memory_space<semaphore_mem>>)
      %mul3A_45 = arith.constant 128 : i32
      %mul3A_46 = arith.muli %mul3A_21, %mul3A_45 : i32
      %add3A_47 = arith.addi %mul3A_2, %mul3A_46 : i32
      %run_scoped3A = arith.constant 0 : i32
      "tpu.region"() ({
        %run_scoped3A_69 = tpu.sem_alloc : memref<!tpu.dma_semaphore, #tpu.memory_space<semaphore_mem>>
        %dma_start3A_70 = arith.constant 0 : i32
        %dma_start3A_71 = arith.constant 0 : i32
        %dma_start3A_72 = tpu.memref_slice %arg6[%run_scoped3A, %dma_start3A_70, %dma_start3A_71] : memref<2x128x64xf32, #tpu.memory_space<vmem>> -> memref<1x128x64xf32, #tpu.memory_space<vmem>>
        %dma_start3A_73 = tpu.memref_squeeze %dma_start3A_72 : memref<1x128x64xf32, #tpu.memory_space<vmem>> -> memref<128x64xf32, #tpu.memory_space<vmem>>
        %dma_start3A_74 = arith.constant 0 : i32
        %dma_start3A_75 = tpu.memref_slice %arg4[%add3A_47, %dma_start3A_74] : memref<106496x64xf32, #tpu.memory_space<hbm>> -> memref<128x64xf32, #tpu.memory_space<hbm>>
        %dma_start3A_76 = arith.constant 0 : i32
        %dma_start3A_77 = tpu.memref_slice %arg4[%add3A_47, %dma_start3A_76] : memref<106496x64xf32, #tpu.memory_space<hbm>> -> memref<128x64xf32, #tpu.memory_space<hbm>>
        %dma_start3A_78 = arith.constant 0 : i32
        %dma_start3A_79 = arith.constant 0 : i32
        %dma_start3A_80 = tpu.memref_slice %arg6[%run_scoped3A, %dma_start3A_78, %dma_start3A_79] : memref<2x128x64xf32, #tpu.memory_space<vmem>> -> memref<1x128x64xf32, #tpu.memory_space<vmem>>
        %dma_start3A_81 = tpu.memref_squeeze %dma_start3A_80 : memref<1x128x64xf32, #tpu.memory_space<vmem>> -> memref<128x64xf32, #tpu.memory_space<vmem>>
        tpu.enqueue_dma source(%dma_start3A_81 : memref<128x64xf32, #tpu.memory_space<vmem>>) target(%dma_start3A_77 : memref<128x64xf32, #tpu.memory_space<hbm>>) target_semaphore(%run_scoped3A_69 : memref<!tpu.dma_semaphore, #tpu.memory_space<semaphore_mem>>)
        %dma_wait3A_82 = arith.constant 0 : i32
        %dma_wait3A_83 = arith.constant 0 : i32
        %dma_wait3A_84 = tpu.memref_slice %arg6[%run_scoped3A, %dma_wait3A_82, %dma_wait3A_83] : memref<2x128x64xf32, #tpu.memory_space<vmem>> -> memref<1x128x64xf32, #tpu.memory_space<vmem>>
        %dma_wait3A_85 = tpu.memref_squeeze %dma_wait3A_84 : memref<1x128x64xf32, #tpu.memory_space<vmem>> -> memref<128x64xf32, #tpu.memory_space<vmem>>
        %dma_wait3A_86 = arith.constant 0 : i32
        %dma_wait3A_87 = tpu.memref_slice %arg4[%add3A_47, %dma_wait3A_86] : memref<106496x64xf32, #tpu.memory_space<hbm>> -> memref<128x64xf32, #tpu.memory_space<hbm>>
        %dma_wait3A_88 = arith.constant 0 : i32
        %dma_wait3A_89 = tpu.memref_slice %arg4[%add3A_47, %dma_wait3A_88] : memref<106496x64xf32, #tpu.memory_space<hbm>> -> memref<128x64xf32, #tpu.memory_space<hbm>>
        %dma_wait3A_90 = arith.constant 0 : i32
        %dma_wait3A_91 = arith.constant 0 : i32
        %dma_wait3A_92 = tpu.memref_slice %arg6[%run_scoped3A, %dma_wait3A_90, %dma_wait3A_91] : memref<2x128x64xf32, #tpu.memory_space<vmem>> -> memref<1x128x64xf32, #tpu.memory_space<vmem>>
        %dma_wait3A_93 = tpu.memref_squeeze %dma_wait3A_92 : memref<1x128x64xf32, #tpu.memory_space<vmem>> -> memref<128x64xf32, #tpu.memory_space<vmem>>
        tpu.wait_dma2 semaphore(%run_scoped3A_69 : memref<!tpu.dma_semaphore, #tpu.memory_space<semaphore_mem>>) src(%dma_wait3A_93 : memref<128x64xf32, #tpu.memory_space<vmem>>) dst(%dma_wait3A_89 : memref<128x64xf32, #tpu.memory_space<hbm>>)
        tpu.yield
      }) : () -> ()
      %dma_wait3A_48 = arith.constant 1 : i32
      %dma_wait3A_49 = arith.constant 0 : i32
      %dma_wait3A_50 = arith.constant 0 : i32
      %dma_wait3A_51 = tpu.memref_slice %arg6[%dma_wait3A_48, %dma_wait3A_49, %dma_wait3A_50] : memref<2x128x64xf32, #tpu.memory_space<vmem>> -> memref<1x128x64xf32, #tpu.memory_space<vmem>>
      %dma_wait3A_52 = tpu.memref_squeeze %dma_wait3A_51 : memref<1x128x64xf32, #tpu.memory_space<vmem>> -> memref<128x64xf32, #tpu.memory_space<vmem>>
      %dma_wait3A_53 = arith.constant 0 : i32
      %dma_wait3A_54 = tpu.memref_slice %arg5[%add3A_23, %dma_wait3A_53] : memref<26x128xi32, #tpu.memory_space<vmem>> -> memref<1x128xi32, #tpu.memory_space<vmem>>
      %dma_wait3A_55 = tpu.memref_squeeze %dma_wait3A_54 : memref<1x128xi32, #tpu.memory_space<vmem>> -> memref<128xi32, #tpu.memory_space<vmem>>
      %dma_wait3A_56 = arith.constant 0 : i32
      %dma_wait3A_57 = arith.constant 0 : i32
      %dma_wait3A_58 = tpu.memref_slice %arg2[%dma_wait3A_56, %dma_wait3A_57] : memref<1000000x64xf32, #tpu.memory_space<hbm>> -> memref<1000000x64xf32, #tpu.memory_space<hbm>>
      tpu.wait_indirect_dma semaphore(%arg8 : memref<!tpu.dma_semaphore, #tpu.memory_space<semaphore_mem>>) src(%dma_wait3A_58 : memref<1000000x64xf32, #tpu.memory_space<hbm>>) dst(%dma_wait3A_52 : memref<128x64xf32, #tpu.memory_space<vmem>>)
      %mul3A_59 = arith.constant 2 : i32
      %mul3A_60 = arith.muli %scan3A_19, %mul3A_59 : i32
      %add3A_61 = arith.constant 2 : i32
      %add3A_62 = arith.addi %mul3A_60, %add3A_61 : i32
      %lt3A = arith.constant 26 : i32
      %lt3A_63 = arith.cmpi slt, %add3A_62, %lt3A : i32
      %convert_element_type3A = arith.extui %lt3A_63 : i1 to i32
      %cond3A = arith.constant 0 : i32
      %cond3A_64 = arith.cmpi ne, %convert_element_type3A, %cond3A : i32
      scf.if %cond3A_64 {
        %add3A_69 = arith.constant 2 : i32
        %add3A_70 = arith.addi %mul3A_21, %add3A_69 : i32
        %dma_start3A_71 = arith.constant 0 : i32
        %dma_start3A_72 = arith.constant 0 : i32
        %dma_start3A_73 = arith.constant 0 : i32
        %dma_start3A_74 = tpu.memref_slice %arg6[%dma_start3A_71, %dma_start3A_72, %dma_start3A_73] : memref<2x128x64xf32, #tpu.memory_space<vmem>> -> memref<1x128x64xf32, #tpu.memory_space<vmem>>
        %dma_start3A_75 = tpu.memref_squeeze %dma_start3A_74 : memref<1x128x64xf32, #tpu.memory_space<vmem>> -> memref<128x64xf32, #tpu.memory_space<vmem>>
        %dma_start3A_76 = arith.constant 0 : i32
        %dma_start3A_77 = tpu.memref_slice %arg5[%add3A_70, %dma_start3A_76] : memref<26x128xi32, #tpu.memory_space<vmem>> -> memref<1x128xi32, #tpu.memory_space<vmem>>
        %dma_start3A_78 = tpu.memref_squeeze %dma_start3A_77 : memref<1x128xi32, #tpu.memory_space<vmem>> -> memref<128xi32, #tpu.memory_space<vmem>>
        %dma_start3A_79 = arith.constant 0 : i32
        %dma_start3A_80 = arith.constant 0 : i32
        %dma_start3A_81 = tpu.memref_slice %arg2[%dma_start3A_79, %dma_start3A_80] : memref<1000000x64xf32, #tpu.memory_space<hbm>> -> memref<1000000x64xf32, #tpu.memory_space<hbm>>
        tpu.enqueue_indirect_dma source(%dma_start3A_81 : memref<1000000x64xf32, #tpu.memory_space<hbm>>) target(%dma_start3A_75 : memref<128x64xf32, #tpu.memory_space<vmem>>) offsets(%dma_start3A_78 : memref<128xi32, #tpu.memory_space<vmem>>) semaphore(%arg7 : memref<!tpu.dma_semaphore, #tpu.memory_space<semaphore_mem>>)
      } else {
      }
      %mul3A_65 = arith.constant 128 : i32
      %mul3A_66 = arith.muli %add3A_23, %mul3A_65 : i32
      %add3A_67 = arith.addi %mul3A_2, %mul3A_66 : i32
      %run_scoped3A_68 = arith.constant 1 : i32
      "tpu.region"() ({
        %run_scoped3A_69 = tpu.sem_alloc : memref<!tpu.dma_semaphore, #tpu.memory_space<semaphore_mem>>
        %dma_start3A_70 = arith.constant 0 : i32
        %dma_start3A_71 = arith.constant 0 : i32
        %dma_start3A_72 = tpu.memref_slice %arg6[%run_scoped3A_68, %dma_start3A_70, %dma_start3A_71] : memref<2x128x64xf32, #tpu.memory_space<vmem>> -> memref<1x128x64xf32, #tpu.memory_space<vmem>>
        %dma_start3A_73 = tpu.memref_squeeze %dma_start3A_72 : memref<1x128x64xf32, #tpu.memory_space<vmem>> -> memref<128x64xf32, #tpu.memory_space<vmem>>
        %dma_start3A_74 = arith.constant 0 : i32
        %dma_start3A_75 = tpu.memref_slice %arg4[%add3A_67, %dma_start3A_74] : memref<106496x64xf32, #tpu.memory_space<hbm>> -> memref<128x64xf32, #tpu.memory_space<hbm>>
        %dma_start3A_76 = arith.constant 0 : i32
        %dma_start3A_77 = tpu.memref_slice %arg4[%add3A_67, %dma_start3A_76] : memref<106496x64xf32, #tpu.memory_space<hbm>> -> memref<128x64xf32, #tpu.memory_space<hbm>>
        %dma_start3A_78 = arith.constant 0 : i32
        %dma_start3A_79 = arith.constant 0 : i32
        %dma_start3A_80 = tpu.memref_slice %arg6[%run_scoped3A_68, %dma_start3A_78, %dma_start3A_79] : memref<2x128x64xf32, #tpu.memory_space<vmem>> -> memref<1x128x64xf32, #tpu.memory_space<vmem>>
        %dma_start3A_81 = tpu.memref_squeeze %dma_start3A_80 : memref<1x128x64xf32, #tpu.memory_space<vmem>> -> memref<128x64xf32, #tpu.memory_space<vmem>>
        tpu.enqueue_dma source(%dma_start3A_81 : memref<128x64xf32, #tpu.memory_space<vmem>>) target(%dma_start3A_77 : memref<128x64xf32, #tpu.memory_space<hbm>>) target_semaphore(%run_scoped3A_69 : memref<!tpu.dma_semaphore, #tpu.memory_space<semaphore_mem>>)
        %dma_wait3A_82 = arith.constant 0 : i32
        %dma_wait3A_83 = arith.constant 0 : i32
        %dma_wait3A_84 = tpu.memref_slice %arg6[%run_scoped3A_68, %dma_wait3A_82, %dma_wait3A_83] : memref<2x128x64xf32, #tpu.memory_space<vmem>> -> memref<1x128x64xf32, #tpu.memory_space<vmem>>
        %dma_wait3A_85 = tpu.memref_squeeze %dma_wait3A_84 : memref<1x128x64xf32, #tpu.memory_space<vmem>> -> memref<128x64xf32, #tpu.memory_space<vmem>>
        %dma_wait3A_86 = arith.constant 0 : i32
        %dma_wait3A_87 = tpu.memref_slice %arg4[%add3A_67, %dma_wait3A_86] : memref<106496x64xf32, #tpu.memory_space<hbm>> -> memref<128x64xf32, #tpu.memory_space<hbm>>
        %dma_wait3A_88 = arith.constant 0 : i32
        %dma_wait3A_89 = tpu.memref_slice %arg4[%add3A_67, %dma_wait3A_88] : memref<106496x64xf32, #tpu.memory_space<hbm>> -> memref<128x64xf32, #tpu.memory_space<hbm>>
        %dma_wait3A_90 = arith.constant 0 : i32
        %dma_wait3A_91 = arith.constant 0 : i32
        %dma_wait3A_92 = tpu.memref_slice %arg6[%run_scoped3A_68, %dma_wait3A_90, %dma_wait3A_91] : memref<2x128x64xf32, #tpu.memory_space<vmem>> -> memref<1x128x64xf32, #tpu.memory_space<vmem>>
        %dma_wait3A_93 = tpu.memref_squeeze %dma_wait3A_92 : memref<1x128x64xf32, #tpu.memory_space<vmem>> -> memref<128x64xf32, #tpu.memory_space<vmem>>
        tpu.wait_dma2 semaphore(%run_scoped3A_69 : memref<!tpu.dma_semaphore, #tpu.memory_space<semaphore_mem>>) src(%dma_wait3A_93 : memref<128x64xf32, #tpu.memory_space<vmem>>) dst(%dma_wait3A_89 : memref<128x64xf32, #tpu.memory_space<hbm>>)
        tpu.yield
      }) : () -> ()
    }
    %scan3A_18 = arith.constant 13 : i32
    return
  }
}

module attributes {stable_mosaic.version = 14 : i64} {
  func.func @_bot_body(%arg0: i32, %arg1: memref<13x1024xf32, #tpu.memory_space<vmem>>, %arg2: memref<512x13xf32, #tpu.memory_space<vmem>>, %arg3: memref<512x1xf32, #tpu.memory_space<vmem>>, %arg4: memref<256x512xf32, #tpu.memory_space<vmem>>, %arg5: memref<256x1xf32, #tpu.memory_space<vmem>>, %arg6: memref<64x256xf32, #tpu.memory_space<vmem>>, %arg7: memref<64x1xf32, #tpu.memory_space<vmem>>, %arg8: memref<64x1024xf32, #tpu.memory_space<vmem>>) attributes {dimension_semantics = [#tpu.dimension_semantics<arbitrary>], iteration_bounds = array<i64: 4>, scalar_prefetch = 0 : i64, scratch_operands = 0 : i64, tpu.core_type = #tpu.core_type<tc>, window_params = [{transform_indices = @transform_0, window_bounds = array<i64: 13, 1024>}, {pipeline_mode = #tpu.pipeline_mode<synchronous>, transform_indices = @transform_1, window_bounds = array<i64: 512, 13>}, {pipeline_mode = #tpu.pipeline_mode<synchronous>, transform_indices = @transform_2, window_bounds = array<i64: 512, 1>}, {pipeline_mode = #tpu.pipeline_mode<synchronous>, transform_indices = @transform_3, window_bounds = array<i64: 256, 512>}, {pipeline_mode = #tpu.pipeline_mode<synchronous>, transform_indices = @transform_4, window_bounds = array<i64: 256, 1>}, {pipeline_mode = #tpu.pipeline_mode<synchronous>, transform_indices = @transform_5, window_bounds = array<i64: 64, 256>}, {pipeline_mode = #tpu.pipeline_mode<synchronous>, transform_indices = @transform_6, window_bounds = array<i64: 64, 1>}, {transform_indices = @transform_7, window_bounds = array<i64: 64, 1024>}]} {
    %get3A = arith.constant 0 : index
    %get3A_0 = arith.constant 0 : index
    %get3A_1 = vector.load %arg2[%get3A, %get3A_0] : memref<512x13xf32, #tpu.memory_space<vmem>>, vector<512x13xf32>
    %get3A_2 = arith.constant 0 : index
    %get3A_3 = arith.constant 0 : index
    %get3A_4 = vector.load %arg1[%get3A_2, %get3A_3] : memref<13x1024xf32, #tpu.memory_space<vmem>>, vector<13x1024xf32>
    %dot_general3A = arith.constant dense<0.000000e+00> : vector<512x1024xf32>
    %dot_general3A_5 = tpu.matmul %get3A_1, %get3A_4, %dot_general3A {dimension_numbers = #tpu.dot_dimension_numbers<[1], [0], [0], [1], [0, 0, 1, 1], [], []>, transpose_lhs_hint = false} : vector<512x13xf32>, vector<13x1024xf32>, vector<512x1024xf32> -> vector<512x1024xf32>
    %get3A_6 = arith.constant 0 : index
    %get3A_7 = arith.constant 0 : index
    %get3A_8 = vector.load %arg3[%get3A_6, %get3A_7] : memref<512x1xf32, #tpu.memory_space<vmem>>, vector<512x1xf32>
    %add3A = vector.broadcast %get3A_8 : vector<512x1xf32> to vector<512x1024xf32>
    %add3A_9 = arith.addf %dot_general3A_5, %add3A : vector<512x1024xf32>
    %max3A = arith.constant 0.000000e+00 : f32
    %max3A_10 = vector.broadcast %max3A : f32 to vector<512x1024xf32>
    %max3A_11 = arith.maximumf %add3A_9, %max3A_10 : vector<512x1024xf32>
    %get3A_12 = arith.constant 0 : index
    %get3A_13 = arith.constant 0 : index
    %get3A_14 = vector.load %arg4[%get3A_12, %get3A_13] : memref<256x512xf32, #tpu.memory_space<vmem>>, vector<256x512xf32>
    %dot_general3A_15 = arith.constant dense<0.000000e+00> : vector<256x1024xf32>
    %dot_general3A_16 = tpu.matmul %get3A_14, %max3A_11, %dot_general3A_15 {dimension_numbers = #tpu.dot_dimension_numbers<[1], [0], [0], [1], [0, 0, 1, 1], [], []>, transpose_lhs_hint = false} : vector<256x512xf32>, vector<512x1024xf32>, vector<256x1024xf32> -> vector<256x1024xf32>
    %get3A_17 = arith.constant 0 : index
    %get3A_18 = arith.constant 0 : index
    %get3A_19 = vector.load %arg5[%get3A_17, %get3A_18] : memref<256x1xf32, #tpu.memory_space<vmem>>, vector<256x1xf32>
    %add3A_20 = vector.broadcast %get3A_19 : vector<256x1xf32> to vector<256x1024xf32>
    %add3A_21 = arith.addf %dot_general3A_16, %add3A_20 : vector<256x1024xf32>
    %max3A_22 = arith.constant 0.000000e+00 : f32
    %max3A_23 = vector.broadcast %max3A_22 : f32 to vector<256x1024xf32>
    %max3A_24 = arith.maximumf %add3A_21, %max3A_23 : vector<256x1024xf32>
    %get3A_25 = arith.constant 0 : index
    %get3A_26 = arith.constant 0 : index
    %get3A_27 = vector.load %arg6[%get3A_25, %get3A_26] : memref<64x256xf32, #tpu.memory_space<vmem>>, vector<64x256xf32>
    %dot_general3A_28 = arith.constant dense<0.000000e+00> : vector<64x1024xf32>
    %dot_general3A_29 = tpu.matmul %get3A_27, %max3A_24, %dot_general3A_28 {dimension_numbers = #tpu.dot_dimension_numbers<[1], [0], [0], [1], [0, 0, 1, 1], [], []>, transpose_lhs_hint = false} : vector<64x256xf32>, vector<256x1024xf32>, vector<64x1024xf32> -> vector<64x1024xf32>
    %get3A_30 = arith.constant 0 : index
    %get3A_31 = arith.constant 0 : index
    %get3A_32 = vector.load %arg7[%get3A_30, %get3A_31] : memref<64x1xf32, #tpu.memory_space<vmem>>, vector<64x1xf32>
    %add3A_33 = vector.broadcast %get3A_32 : vector<64x1xf32> to vector<64x1024xf32>
    %add3A_34 = arith.addf %dot_general3A_29, %add3A_33 : vector<64x1024xf32>
    %max3A_35 = arith.constant 0.000000e+00 : f32
    %max3A_36 = vector.broadcast %max3A_35 : f32 to vector<64x1024xf32>
    %max3A_37 = arith.maximumf %add3A_34, %max3A_36 : vector<64x1024xf32>
    %swap3A = arith.constant 0 : index
    %swap3A_38 = arith.constant 0 : index
    %swap3A_39 = vector.load %arg8[%swap3A, %swap3A_38] : memref<64x1024xf32, #tpu.memory_space<vmem>>, vector<64x1024xf32>
    tpu.vector_store %arg8[%swap3A, %swap3A_38], %max3A_37 {strides = array<i32>} : memref<64x1024xf32, #tpu.memory_space<vmem>>, vector<64x1024xf32>,
    return
  }
  func.func @transform_0(%arg0: i32) -> (i32, i32) {
    %c0_i32 = arith.constant 0 : i32
    %c0_i32_0 = arith.constant 0 : i32
    return %c0_i32, %arg0 : i32, i32
  }
  func.func @transform_1(%arg0: i32) -> (i32, i32) {
    %c0_i32 = arith.constant 0 : i32
    %c0_i32_0 = arith.constant 0 : i32
    %c0_i32_1 = arith.constant 0 : i32
    return %c0_i32, %c0_i32_0 : i32, i32
  }
  func.func @transform_2(%arg0: i32) -> (i32, i32) {
    %c0_i32 = arith.constant 0 : i32
    %c0_i32_0 = arith.constant 0 : i32
    %c0_i32_1 = arith.constant 0 : i32
    return %c0_i32, %c0_i32_0 : i32, i32
  }
  func.func @transform_3(%arg0: i32) -> (i32, i32) {
    %c0_i32 = arith.constant 0 : i32
    %c0_i32_0 = arith.constant 0 : i32
    %c0_i32_1 = arith.constant 0 : i32
    return %c0_i32, %c0_i32_0 : i32, i32
  }
  func.func @transform_4(%arg0: i32) -> (i32, i32) {
    %c0_i32 = arith.constant 0 : i32
    %c0_i32_0 = arith.constant 0 : i32
    %c0_i32_1 = arith.constant 0 : i32
    return %c0_i32, %c0_i32_0 : i32, i32
  }
  func.func @transform_5(%arg0: i32) -> (i32, i32) {
    %c0_i32 = arith.constant 0 : i32
    %c0_i32_0 = arith.constant 0 : i32
    %c0_i32_1 = arith.constant 0 : i32
    return %c0_i32, %c0_i32_0 : i32, i32
  }
  func.func @transform_6(%arg0: i32) -> (i32, i32) {
    %c0_i32 = arith.constant 0 : i32
    %c0_i32_0 = arith.constant 0 : i32
    %c0_i32_1 = arith.constant 0 : i32
    return %c0_i32, %c0_i32_0 : i32, i32
  }
  func.func @transform_7(%arg0: i32) -> (i32, i32) {
    %c0_i32 = arith.constant 0 : i32
    %c0_i32_0 = arith.constant 0 : i32
    return %c0_i32, %arg0 : i32, i32
  }
}

module attributes {stable_mosaic.version = 14 : i64} {
  func.func @_top_body(%arg0: i32, %arg1: memref<64x1024xf32, #tpu.memory_space<vmem>>, %arg2: memref<26x64x1024xf32, #tpu.memory_space<vmem>>, %arg3: memref<512x64xf32, #tpu.memory_space<vmem>>, %arg4: memref<26x512x26xf32, #tpu.memory_space<vmem>>, %arg5: memref<512x1xf32, #tpu.memory_space<vmem>>, %arg6: memref<256x512xf32, #tpu.memory_space<vmem>>, %arg7: memref<256x1xf32, #tpu.memory_space<vmem>>, %arg8: memref<1x256xf32, #tpu.memory_space<vmem>>, %arg9: memref<1x1xf32, #tpu.memory_space<vmem>>, %arg10: memref<1x1024xf32, #tpu.memory_space<vmem>>) attributes {dimension_semantics = [#tpu.dimension_semantics<arbitrary>], iteration_bounds = array<i64: 4>, scalar_prefetch = 0 : i64, scratch_operands = 0 : i64, tpu.core_type = #tpu.core_type<tc>, window_params = [{transform_indices = @transform_0, window_bounds = array<i64: 64, 1024>}, {transform_indices = @transform_1, window_bounds = array<i64: 26, 64, 1024>}, {pipeline_mode = #tpu.pipeline_mode<synchronous>, transform_indices = @transform_2, window_bounds = array<i64: 512, 64>}, {pipeline_mode = #tpu.pipeline_mode<synchronous>, transform_indices = @transform_3, window_bounds = array<i64: 26, 512, 26>}, {pipeline_mode = #tpu.pipeline_mode<synchronous>, transform_indices = @transform_4, window_bounds = array<i64: 512, 1>}, {pipeline_mode = #tpu.pipeline_mode<synchronous>, transform_indices = @transform_5, window_bounds = array<i64: 256, 512>}, {pipeline_mode = #tpu.pipeline_mode<synchronous>, transform_indices = @transform_6, window_bounds = array<i64: 256, 1>}, {pipeline_mode = #tpu.pipeline_mode<synchronous>, transform_indices = @transform_7, window_bounds = array<i64: 1, 256>}, {pipeline_mode = #tpu.pipeline_mode<synchronous>, transform_indices = @transform_8, window_bounds = array<i64: 1, 1>}, {transform_indices = @transform_9, window_bounds = array<i64: 1, 1024>}]} {
    %get3A = arith.constant 0 : index
    %get3A_0 = arith.constant 0 : index
    %get3A_1 = vector.load %arg1[%get3A, %get3A_0] : memref<64x1024xf32, #tpu.memory_space<vmem>>, vector<64x1024xf32>
    %get3A_2 = arith.constant 0 : index
    %get3A_3 = arith.constant 0 : index
    %get3A_4 = arith.constant 0 : index
    %get3A_5 = vector.load %arg2[%get3A_2, %get3A_3, %get3A_4] : memref<26x64x1024xf32, #tpu.memory_space<vmem>>, vector<26x64x1024xf32>
    %get3A_6 = arith.constant 0 : index
    %get3A_7 = arith.constant 0 : index
    %get3A_8 = vector.load %arg3[%get3A_6, %get3A_7] : memref<512x64xf32, #tpu.memory_space<vmem>>, vector<512x64xf32>
    %dot_general3A = arith.constant dense<0.000000e+00> : vector<512x1024xf32>
    %dot_general3A_9 = tpu.matmul %get3A_8, %get3A_1, %dot_general3A {dimension_numbers = #tpu.dot_dimension_numbers<[1], [0], [0], [1], [0, 0, 1, 1], [], []>, transpose_lhs_hint = false} : vector<512x64xf32>, vector<64x1024xf32>, vector<512x1024xf32> -> vector<512x1024xf32>
    %get3A_10 = arith.constant 0 : index
    %get3A_11 = arith.constant 0 : index
    %get3A_12 = vector.load %arg5[%get3A_10, %get3A_11] : memref<512x1xf32, #tpu.memory_space<vmem>>, vector<512x1xf32>
    %add3A = vector.broadcast %get3A_12 : vector<512x1xf32> to vector<512x1024xf32>
    %add3A_13 = arith.addf %dot_general3A_9, %add3A : vector<512x1024xf32>
    %broadcast_in_dim3A = vector.shape_cast %get3A_1 : vector<64x1024xf32> to vector<1x64x1024xf32>
    %mul3A = vector.broadcast %broadcast_in_dim3A : vector<1x64x1024xf32> to vector<26x64x1024xf32>
    %mul3A_14 = arith.mulf %get3A_5, %mul3A : vector<26x64x1024xf32>
    %reduce_sum3A = arith.constant dense<0.000000e+00> : vector<26x1024xf32>
    %reduce_sum3A_15 = vector.multi_reduction <add>, %mul3A_14, %reduce_sum3A [1] : vector<26x64x1024xf32> to vector<26x1024xf32>
    %get3A_16 = arith.constant 0 : index
    %get3A_17 = arith.constant 0 : index
    %get3A_18 = arith.constant 0 : index
    %get3A_19 = vector.load %arg4[%get3A_16, %get3A_17, %get3A_18] : memref<26x512x26xf32, #tpu.memory_space<vmem>>, vector<1x512x26xf32>
    %get3A_20 = vector.shape_cast %get3A_19 : vector<1x512x26xf32> to vector<512x26xf32>
    %dot_general3A_21 = arith.constant dense<0.000000e+00> : vector<512x1024xf32>
    %dot_general3A_22 = tpu.matmul %get3A_20, %reduce_sum3A_15, %dot_general3A_21 {dimension_numbers = #tpu.dot_dimension_numbers<[1], [0], [0], [1], [0, 0, 1, 1], [], []>, transpose_lhs_hint = false} : vector<512x26xf32>, vector<26x1024xf32>, vector<512x1024xf32> -> vector<512x1024xf32>
    %add3A_23 = arith.addf %add3A_13, %dot_general3A_22 : vector<512x1024xf32>
    %slice3A = vector.extract_strided_slice %get3A_5 {offsets = [0, 0, 0], sizes = [1, 64, 1024], strides = [1, 1, 1]} : vector<26x64x1024xf32> to vector<1x64x1024xf32>
    %squeeze3A = vector.shape_cast %slice3A : vector<1x64x1024xf32> to vector<64x1024xf32>
    %slice3A_24 = vector.extract_strided_slice %get3A_5 {offsets = [1, 0, 0], sizes = [25, 64, 1024], strides = [1, 1, 1]} : vector<26x64x1024xf32> to vector<25x64x1024xf32>
    %broadcast_in_dim3A_25 = vector.shape_cast %squeeze3A : vector<64x1024xf32> to vector<1x64x1024xf32>
    %mul3A_26 = vector.broadcast %broadcast_in_dim3A_25 : vector<1x64x1024xf32> to vector<25x64x1024xf32>
    %mul3A_27 = arith.mulf %slice3A_24, %mul3A_26 : vector<25x64x1024xf32>
    %reduce_sum3A_28 = arith.constant dense<0.000000e+00> : vector<25x1024xf32>
    %reduce_sum3A_29 = vector.multi_reduction <add>, %mul3A_27, %reduce_sum3A_28 [1] : vector<25x64x1024xf32> to vector<25x1024xf32>
    %get3A_30 = arith.constant 1 : index
    %get3A_31 = arith.constant 0 : index
    %get3A_32 = arith.constant 0 : index
    %get3A_33 = vector.load %arg4[%get3A_30, %get3A_31, %get3A_32] : memref<26x512x26xf32, #tpu.memory_space<vmem>>, vector<1x512x26xf32>
    %get3A_34 = vector.shape_cast %get3A_33 : vector<1x512x26xf32> to vector<512x26xf32>
    %slice3A_35 = vector.extract_strided_slice %get3A_34 {offsets = [0, 1], sizes = [512, 25], strides = [1, 1]} : vector<512x26xf32> to vector<512x25xf32>
    %dot_general3A_36 = arith.constant dense<0.000000e+00> : vector<512x1024xf32>
    %dot_general3A_37 = tpu.matmul %slice3A_35, %reduce_sum3A_29, %dot_general3A_36 {dimension_numbers = #tpu.dot_dimension_numbers<[1], [0], [0], [1], [0, 0, 1, 1], [], []>, transpose_lhs_hint = false} : vector<512x25xf32>, vector<25x1024xf32>, vector<512x1024xf32> -> vector<512x1024xf32>
    %add3A_38 = arith.addf %add3A_23, %dot_general3A_37 : vector<512x1024xf32>
    %slice3A_39 = vector.extract_strided_slice %get3A_5 {offsets = [1, 0, 0], sizes = [1, 64, 1024], strides = [1, 1, 1]} : vector<26x64x1024xf32> to vector<1x64x1024xf32>
    %squeeze3A_40 = vector.shape_cast %slice3A_39 : vector<1x64x1024xf32> to vector<64x1024xf32>
    %slice3A_41 = vector.extract_strided_slice %get3A_5 {offsets = [2, 0, 0], sizes = [24, 64, 1024], strides = [1, 1, 1]} : vector<26x64x1024xf32> to vector<24x64x1024xf32>
    %broadcast_in_dim3A_42 = vector.shape_cast %squeeze3A_40 : vector<64x1024xf32> to vector<1x64x1024xf32>
    %mul3A_43 = vector.broadcast %broadcast_in_dim3A_42 : vector<1x64x1024xf32> to vector<24x64x1024xf32>
    %mul3A_44 = arith.mulf %slice3A_41, %mul3A_43 : vector<24x64x1024xf32>
    %reduce_sum3A_45 = arith.constant dense<0.000000e+00> : vector<24x1024xf32>
    %reduce_sum3A_46 = vector.multi_reduction <add>, %mul3A_44, %reduce_sum3A_45 [1] : vector<24x64x1024xf32> to vector<24x1024xf32>
    %get3A_47 = arith.constant 2 : index
    %get3A_48 = arith.constant 0 : index
    %get3A_49 = arith.constant 0 : index
    %get3A_50 = vector.load %arg4[%get3A_47, %get3A_48, %get3A_49] : memref<26x512x26xf32, #tpu.memory_space<vmem>>, vector<1x512x26xf32>
    %get3A_51 = vector.shape_cast %get3A_50 : vector<1x512x26xf32> to vector<512x26xf32>
    %slice3A_52 = vector.extract_strided_slice %get3A_51 {offsets = [0, 2], sizes = [512, 24], strides = [1, 1]} : vector<512x26xf32> to vector<512x24xf32>
    %dot_general3A_53 = arith.constant dense<0.000000e+00> : vector<512x1024xf32>
    %dot_general3A_54 = tpu.matmul %slice3A_52, %reduce_sum3A_46, %dot_general3A_53 {dimension_numbers = #tpu.dot_dimension_numbers<[1], [0], [0], [1], [0, 0, 1, 1], [], []>, transpose_lhs_hint = false} : vector<512x24xf32>, vector<24x1024xf32>, vector<512x1024xf32> -> vector<512x1024xf32>
    %add3A_55 = arith.addf %add3A_38, %dot_general3A_54 : vector<512x1024xf32>
    %slice3A_56 = vector.extract_strided_slice %get3A_5 {offsets = [2, 0, 0], sizes = [1, 64, 1024], strides = [1, 1, 1]} : vector<26x64x1024xf32> to vector<1x64x1024xf32>
    %squeeze3A_57 = vector.shape_cast %slice3A_56 : vector<1x64x1024xf32> to vector<64x1024xf32>
    %slice3A_58 = vector.extract_strided_slice %get3A_5 {offsets = [3, 0, 0], sizes = [23, 64, 1024], strides = [1, 1, 1]} : vector<26x64x1024xf32> to vector<23x64x1024xf32>
    %broadcast_in_dim3A_59 = vector.shape_cast %squeeze3A_57 : vector<64x1024xf32> to vector<1x64x1024xf32>
    %mul3A_60 = vector.broadcast %broadcast_in_dim3A_59 : vector<1x64x1024xf32> to vector<23x64x1024xf32>
    %mul3A_61 = arith.mulf %slice3A_58, %mul3A_60 : vector<23x64x1024xf32>
    %reduce_sum3A_62 = arith.constant dense<0.000000e+00> : vector<23x1024xf32>
    %reduce_sum3A_63 = vector.multi_reduction <add>, %mul3A_61, %reduce_sum3A_62 [1] : vector<23x64x1024xf32> to vector<23x1024xf32>
    %get3A_64 = arith.constant 3 : index
    %get3A_65 = arith.constant 0 : index
    %get3A_66 = arith.constant 0 : index
    %get3A_67 = vector.load %arg4[%get3A_64, %get3A_65, %get3A_66] : memref<26x512x26xf32, #tpu.memory_space<vmem>>, vector<1x512x26xf32>
    %get3A_68 = vector.shape_cast %get3A_67 : vector<1x512x26xf32> to vector<512x26xf32>
    %slice3A_69 = vector.extract_strided_slice %get3A_68 {offsets = [0, 3], sizes = [512, 23], strides = [1, 1]} : vector<512x26xf32> to vector<512x23xf32>
    %dot_general3A_70 = arith.constant dense<0.000000e+00> : vector<512x1024xf32>
    %dot_general3A_71 = tpu.matmul %slice3A_69, %reduce_sum3A_63, %dot_general3A_70 {dimension_numbers = #tpu.dot_dimension_numbers<[1], [0], [0], [1], [0, 0, 1, 1], [], []>, transpose_lhs_hint = false} : vector<512x23xf32>, vector<23x1024xf32>, vector<512x1024xf32> -> vector<512x1024xf32>
    %add3A_72 = arith.addf %add3A_55, %dot_general3A_71 : vector<512x1024xf32>
    %slice3A_73 = vector.extract_strided_slice %get3A_5 {offsets = [3, 0, 0], sizes = [1, 64, 1024], strides = [1, 1, 1]} : vector<26x64x1024xf32> to vector<1x64x1024xf32>
    %squeeze3A_74 = vector.shape_cast %slice3A_73 : vector<1x64x1024xf32> to vector<64x1024xf32>
    %slice3A_75 = vector.extract_strided_slice %get3A_5 {offsets = [4, 0, 0], sizes = [22, 64, 1024], strides = [1, 1, 1]} : vector<26x64x1024xf32> to vector<22x64x1024xf32>
    %broadcast_in_dim3A_76 = vector.shape_cast %squeeze3A_74 : vector<64x1024xf32> to vector<1x64x1024xf32>
    %mul3A_77 = vector.broadcast %broadcast_in_dim3A_76 : vector<1x64x1024xf32> to vector<22x64x1024xf32>
    %mul3A_78 = arith.mulf %slice3A_75, %mul3A_77 : vector<22x64x1024xf32>
    %reduce_sum3A_79 = arith.constant dense<0.000000e+00> : vector<22x1024xf32>
    %reduce_sum3A_80 = vector.multi_reduction <add>, %mul3A_78, %reduce_sum3A_79 [1] : vector<22x64x1024xf32> to vector<22x1024xf32>
    %get3A_81 = arith.constant 4 : index
    %get3A_82 = arith.constant 0 : index
    %get3A_83 = arith.constant 0 : index
    %get3A_84 = vector.load %arg4[%get3A_81, %get3A_82, %get3A_83] : memref<26x512x26xf32, #tpu.memory_space<vmem>>, vector<1x512x26xf32>
    %get3A_85 = vector.shape_cast %get3A_84 : vector<1x512x26xf32> to vector<512x26xf32>
    %slice3A_86 = vector.extract_strided_slice %get3A_85 {offsets = [0, 4], sizes = [512, 22], strides = [1, 1]} : vector<512x26xf32> to vector<512x22xf32>
    %dot_general3A_87 = arith.constant dense<0.000000e+00> : vector<512x1024xf32>
    %dot_general3A_88 = tpu.matmul %slice3A_86, %reduce_sum3A_80, %dot_general3A_87 {dimension_numbers = #tpu.dot_dimension_numbers<[1], [0], [0], [1], [0, 0, 1, 1], [], []>, transpose_lhs_hint = false} : vector<512x22xf32>, vector<22x1024xf32>, vector<512x1024xf32> -> vector<512x1024xf32>
    %add3A_89 = arith.addf %add3A_72, %dot_general3A_88 : vector<512x1024xf32>
    %slice3A_90 = vector.extract_strided_slice %get3A_5 {offsets = [4, 0, 0], sizes = [1, 64, 1024], strides = [1, 1, 1]} : vector<26x64x1024xf32> to vector<1x64x1024xf32>
    %squeeze3A_91 = vector.shape_cast %slice3A_90 : vector<1x64x1024xf32> to vector<64x1024xf32>
    %slice3A_92 = vector.extract_strided_slice %get3A_5 {offsets = [5, 0, 0], sizes = [21, 64, 1024], strides = [1, 1, 1]} : vector<26x64x1024xf32> to vector<21x64x1024xf32>
    %broadcast_in_dim3A_93 = vector.shape_cast %squeeze3A_91 : vector<64x1024xf32> to vector<1x64x1024xf32>
    %mul3A_94 = vector.broadcast %broadcast_in_dim3A_93 : vector<1x64x1024xf32> to vector<21x64x1024xf32>
    %mul3A_95 = arith.mulf %slice3A_92, %mul3A_94 : vector<21x64x1024xf32>
    %reduce_sum3A_96 = arith.constant dense<0.000000e+00> : vector<21x1024xf32>
    %reduce_sum3A_97 = vector.multi_reduction <add>, %mul3A_95, %reduce_sum3A_96 [1] : vector<21x64x1024xf32> to vector<21x1024xf32>
    %get3A_98 = arith.constant 5 : index
    %get3A_99 = arith.constant 0 : index
    %get3A_100 = arith.constant 0 : index
    %get3A_101 = vector.load %arg4[%get3A_98, %get3A_99, %get3A_100] : memref<26x512x26xf32, #tpu.memory_space<vmem>>, vector<1x512x26xf32>
    %get3A_102 = vector.shape_cast %get3A_101 : vector<1x512x26xf32> to vector<512x26xf32>
    %slice3A_103 = vector.extract_strided_slice %get3A_102 {offsets = [0, 5], sizes = [512, 21], strides = [1, 1]} : vector<512x26xf32> to vector<512x21xf32>
    %dot_general3A_104 = arith.constant dense<0.000000e+00> : vector<512x1024xf32>
    %dot_general3A_105 = tpu.matmul %slice3A_103, %reduce_sum3A_97, %dot_general3A_104 {dimension_numbers = #tpu.dot_dimension_numbers<[1], [0], [0], [1], [0, 0, 1, 1], [], []>, transpose_lhs_hint = false} : vector<512x21xf32>, vector<21x1024xf32>, vector<512x1024xf32> -> vector<512x1024xf32>
    %add3A_106 = arith.addf %add3A_89, %dot_general3A_105 : vector<512x1024xf32>
    %slice3A_107 = vector.extract_strided_slice %get3A_5 {offsets = [5, 0, 0], sizes = [1, 64, 1024], strides = [1, 1, 1]} : vector<26x64x1024xf32> to vector<1x64x1024xf32>
    %squeeze3A_108 = vector.shape_cast %slice3A_107 : vector<1x64x1024xf32> to vector<64x1024xf32>
    %slice3A_109 = vector.extract_strided_slice %get3A_5 {offsets = [6, 0, 0], sizes = [20, 64, 1024], strides = [1, 1, 1]} : vector<26x64x1024xf32> to vector<20x64x1024xf32>
    %broadcast_in_dim3A_110 = vector.shape_cast %squeeze3A_108 : vector<64x1024xf32> to vector<1x64x1024xf32>
    %mul3A_111 = vector.broadcast %broadcast_in_dim3A_110 : vector<1x64x1024xf32> to vector<20x64x1024xf32>
    %mul3A_112 = arith.mulf %slice3A_109, %mul3A_111 : vector<20x64x1024xf32>
    %reduce_sum3A_113 = arith.constant dense<0.000000e+00> : vector<20x1024xf32>
    %reduce_sum3A_114 = vector.multi_reduction <add>, %mul3A_112, %reduce_sum3A_113 [1] : vector<20x64x1024xf32> to vector<20x1024xf32>
    %get3A_115 = arith.constant 6 : index
    %get3A_116 = arith.constant 0 : index
    %get3A_117 = arith.constant 0 : index
    %get3A_118 = vector.load %arg4[%get3A_115, %get3A_116, %get3A_117] : memref<26x512x26xf32, #tpu.memory_space<vmem>>, vector<1x512x26xf32>
    %get3A_119 = vector.shape_cast %get3A_118 : vector<1x512x26xf32> to vector<512x26xf32>
    %slice3A_120 = vector.extract_strided_slice %get3A_119 {offsets = [0, 6], sizes = [512, 20], strides = [1, 1]} : vector<512x26xf32> to vector<512x20xf32>
    %dot_general3A_121 = arith.constant dense<0.000000e+00> : vector<512x1024xf32>
    %dot_general3A_122 = tpu.matmul %slice3A_120, %reduce_sum3A_114, %dot_general3A_121 {dimension_numbers = #tpu.dot_dimension_numbers<[1], [0], [0], [1], [0, 0, 1, 1], [], []>, transpose_lhs_hint = false} : vector<512x20xf32>, vector<20x1024xf32>, vector<512x1024xf32> -> vector<512x1024xf32>
    %add3A_123 = arith.addf %add3A_106, %dot_general3A_122 : vector<512x1024xf32>
    %slice3A_124 = vector.extract_strided_slice %get3A_5 {offsets = [6, 0, 0], sizes = [1, 64, 1024], strides = [1, 1, 1]} : vector<26x64x1024xf32> to vector<1x64x1024xf32>
    %squeeze3A_125 = vector.shape_cast %slice3A_124 : vector<1x64x1024xf32> to vector<64x1024xf32>
    %slice3A_126 = vector.extract_strided_slice %get3A_5 {offsets = [7, 0, 0], sizes = [19, 64, 1024], strides = [1, 1, 1]} : vector<26x64x1024xf32> to vector<19x64x1024xf32>
    %broadcast_in_dim3A_127 = vector.shape_cast %squeeze3A_125 : vector<64x1024xf32> to vector<1x64x1024xf32>
    %mul3A_128 = vector.broadcast %broadcast_in_dim3A_127 : vector<1x64x1024xf32> to vector<19x64x1024xf32>
    %mul3A_129 = arith.mulf %slice3A_126, %mul3A_128 : vector<19x64x1024xf32>
    %reduce_sum3A_130 = arith.constant dense<0.000000e+00> : vector<19x1024xf32>
    %reduce_sum3A_131 = vector.multi_reduction <add>, %mul3A_129, %reduce_sum3A_130 [1] : vector<19x64x1024xf32> to vector<19x1024xf32>
    %get3A_132 = arith.constant 7 : index
    %get3A_133 = arith.constant 0 : index
    %get3A_134 = arith.constant 0 : index
    %get3A_135 = vector.load %arg4[%get3A_132, %get3A_133, %get3A_134] : memref<26x512x26xf32, #tpu.memory_space<vmem>>, vector<1x512x26xf32>
    %get3A_136 = vector.shape_cast %get3A_135 : vector<1x512x26xf32> to vector<512x26xf32>
    %slice3A_137 = vector.extract_strided_slice %get3A_136 {offsets = [0, 7], sizes = [512, 19], strides = [1, 1]} : vector<512x26xf32> to vector<512x19xf32>
    %dot_general3A_138 = arith.constant dense<0.000000e+00> : vector<512x1024xf32>
    %dot_general3A_139 = tpu.matmul %slice3A_137, %reduce_sum3A_131, %dot_general3A_138 {dimension_numbers = #tpu.dot_dimension_numbers<[1], [0], [0], [1], [0, 0, 1, 1], [], []>, transpose_lhs_hint = false} : vector<512x19xf32>, vector<19x1024xf32>, vector<512x1024xf32> -> vector<512x1024xf32>
    %add3A_140 = arith.addf %add3A_123, %dot_general3A_139 : vector<512x1024xf32>
    %slice3A_141 = vector.extract_strided_slice %get3A_5 {offsets = [7, 0, 0], sizes = [1, 64, 1024], strides = [1, 1, 1]} : vector<26x64x1024xf32> to vector<1x64x1024xf32>
    %squeeze3A_142 = vector.shape_cast %slice3A_141 : vector<1x64x1024xf32> to vector<64x1024xf32>
    %slice3A_143 = vector.extract_strided_slice %get3A_5 {offsets = [8, 0, 0], sizes = [18, 64, 1024], strides = [1, 1, 1]} : vector<26x64x1024xf32> to vector<18x64x1024xf32>
    %broadcast_in_dim3A_144 = vector.shape_cast %squeeze3A_142 : vector<64x1024xf32> to vector<1x64x1024xf32>
    %mul3A_145 = vector.broadcast %broadcast_in_dim3A_144 : vector<1x64x1024xf32> to vector<18x64x1024xf32>
    %mul3A_146 = arith.mulf %slice3A_143, %mul3A_145 : vector<18x64x1024xf32>
    %reduce_sum3A_147 = arith.constant dense<0.000000e+00> : vector<18x1024xf32>
    %reduce_sum3A_148 = vector.multi_reduction <add>, %mul3A_146, %reduce_sum3A_147 [1] : vector<18x64x1024xf32> to vector<18x1024xf32>
    %get3A_149 = arith.constant 8 : index
    %get3A_150 = arith.constant 0 : index
    %get3A_151 = arith.constant 0 : index
    %get3A_152 = vector.load %arg4[%get3A_149, %get3A_150, %get3A_151] : memref<26x512x26xf32, #tpu.memory_space<vmem>>, vector<1x512x26xf32>
    %get3A_153 = vector.shape_cast %get3A_152 : vector<1x512x26xf32> to vector<512x26xf32>
    %slice3A_154 = vector.extract_strided_slice %get3A_153 {offsets = [0, 8], sizes = [512, 18], strides = [1, 1]} : vector<512x26xf32> to vector<512x18xf32>
    %dot_general3A_155 = arith.constant dense<0.000000e+00> : vector<512x1024xf32>
    %dot_general3A_156 = tpu.matmul %slice3A_154, %reduce_sum3A_148, %dot_general3A_155 {dimension_numbers = #tpu.dot_dimension_numbers<[1], [0], [0], [1], [0, 0, 1, 1], [], []>, transpose_lhs_hint = false} : vector<512x18xf32>, vector<18x1024xf32>, vector<512x1024xf32> -> vector<512x1024xf32>
    %add3A_157 = arith.addf %add3A_140, %dot_general3A_156 : vector<512x1024xf32>
    %slice3A_158 = vector.extract_strided_slice %get3A_5 {offsets = [8, 0, 0], sizes = [1, 64, 1024], strides = [1, 1, 1]} : vector<26x64x1024xf32> to vector<1x64x1024xf32>
    %squeeze3A_159 = vector.shape_cast %slice3A_158 : vector<1x64x1024xf32> to vector<64x1024xf32>
    %slice3A_160 = vector.extract_strided_slice %get3A_5 {offsets = [9, 0, 0], sizes = [17, 64, 1024], strides = [1, 1, 1]} : vector<26x64x1024xf32> to vector<17x64x1024xf32>
    %broadcast_in_dim3A_161 = vector.shape_cast %squeeze3A_159 : vector<64x1024xf32> to vector<1x64x1024xf32>
    %mul3A_162 = vector.broadcast %broadcast_in_dim3A_161 : vector<1x64x1024xf32> to vector<17x64x1024xf32>
    %mul3A_163 = arith.mulf %slice3A_160, %mul3A_162 : vector<17x64x1024xf32>
    %reduce_sum3A_164 = arith.constant dense<0.000000e+00> : vector<17x1024xf32>
    %reduce_sum3A_165 = vector.multi_reduction <add>, %mul3A_163, %reduce_sum3A_164 [1] : vector<17x64x1024xf32> to vector<17x1024xf32>
    %get3A_166 = arith.constant 9 : index
    %get3A_167 = arith.constant 0 : index
    %get3A_168 = arith.constant 0 : index
    %get3A_169 = vector.load %arg4[%get3A_166, %get3A_167, %get3A_168] : memref<26x512x26xf32, #tpu.memory_space<vmem>>, vector<1x512x26xf32>
    %get3A_170 = vector.shape_cast %get3A_169 : vector<1x512x26xf32> to vector<512x26xf32>
    %slice3A_171 = vector.extract_strided_slice %get3A_170 {offsets = [0, 9], sizes = [512, 17], strides = [1, 1]} : vector<512x26xf32> to vector<512x17xf32>
    %dot_general3A_172 = arith.constant dense<0.000000e+00> : vector<512x1024xf32>
    %dot_general3A_173 = tpu.matmul %slice3A_171, %reduce_sum3A_165, %dot_general3A_172 {dimension_numbers = #tpu.dot_dimension_numbers<[1], [0], [0], [1], [0, 0, 1, 1], [], []>, transpose_lhs_hint = false} : vector<512x17xf32>, vector<17x1024xf32>, vector<512x1024xf32> -> vector<512x1024xf32>
    %add3A_174 = arith.addf %add3A_157, %dot_general3A_173 : vector<512x1024xf32>
    %slice3A_175 = vector.extract_strided_slice %get3A_5 {offsets = [9, 0, 0], sizes = [1, 64, 1024], strides = [1, 1, 1]} : vector<26x64x1024xf32> to vector<1x64x1024xf32>
    %squeeze3A_176 = vector.shape_cast %slice3A_175 : vector<1x64x1024xf32> to vector<64x1024xf32>
    %slice3A_177 = vector.extract_strided_slice %get3A_5 {offsets = [10, 0, 0], sizes = [16, 64, 1024], strides = [1, 1, 1]} : vector<26x64x1024xf32> to vector<16x64x1024xf32>
    %broadcast_in_dim3A_178 = vector.shape_cast %squeeze3A_176 : vector<64x1024xf32> to vector<1x64x1024xf32>
    %mul3A_179 = vector.broadcast %broadcast_in_dim3A_178 : vector<1x64x1024xf32> to vector<16x64x1024xf32>
    %mul3A_180 = arith.mulf %slice3A_177, %mul3A_179 : vector<16x64x1024xf32>
    %reduce_sum3A_181 = arith.constant dense<0.000000e+00> : vector<16x1024xf32>
    %reduce_sum3A_182 = vector.multi_reduction <add>, %mul3A_180, %reduce_sum3A_181 [1] : vector<16x64x1024xf32> to vector<16x1024xf32>
    %get3A_183 = arith.constant 10 : index
    %get3A_184 = arith.constant 0 : index
    %get3A_185 = arith.constant 0 : index
    %get3A_186 = vector.load %arg4[%get3A_183, %get3A_184, %get3A_185] : memref<26x512x26xf32, #tpu.memory_space<vmem>>, vector<1x512x26xf32>
    %get3A_187 = vector.shape_cast %get3A_186 : vector<1x512x26xf32> to vector<512x26xf32>
    %slice3A_188 = vector.extract_strided_slice %get3A_187 {offsets = [0, 10], sizes = [512, 16], strides = [1, 1]} : vector<512x26xf32> to vector<512x16xf32>
    %dot_general3A_189 = arith.constant dense<0.000000e+00> : vector<512x1024xf32>
    %dot_general3A_190 = tpu.matmul %slice3A_188, %reduce_sum3A_182, %dot_general3A_189 {dimension_numbers = #tpu.dot_dimension_numbers<[1], [0], [0], [1], [0, 0, 1, 1], [], []>, transpose_lhs_hint = false} : vector<512x16xf32>, vector<16x1024xf32>, vector<512x1024xf32> -> vector<512x1024xf32>
    %add3A_191 = arith.addf %add3A_174, %dot_general3A_190 : vector<512x1024xf32>
    %slice3A_192 = vector.extract_strided_slice %get3A_5 {offsets = [10, 0, 0], sizes = [1, 64, 1024], strides = [1, 1, 1]} : vector<26x64x1024xf32> to vector<1x64x1024xf32>
    %squeeze3A_193 = vector.shape_cast %slice3A_192 : vector<1x64x1024xf32> to vector<64x1024xf32>
    %slice3A_194 = vector.extract_strided_slice %get3A_5 {offsets = [11, 0, 0], sizes = [15, 64, 1024], strides = [1, 1, 1]} : vector<26x64x1024xf32> to vector<15x64x1024xf32>
    %broadcast_in_dim3A_195 = vector.shape_cast %squeeze3A_193 : vector<64x1024xf32> to vector<1x64x1024xf32>
    %mul3A_196 = vector.broadcast %broadcast_in_dim3A_195 : vector<1x64x1024xf32> to vector<15x64x1024xf32>
    %mul3A_197 = arith.mulf %slice3A_194, %mul3A_196 : vector<15x64x1024xf32>
    %reduce_sum3A_198 = arith.constant dense<0.000000e+00> : vector<15x1024xf32>
    %reduce_sum3A_199 = vector.multi_reduction <add>, %mul3A_197, %reduce_sum3A_198 [1] : vector<15x64x1024xf32> to vector<15x1024xf32>
    %get3A_200 = arith.constant 11 : index
    %get3A_201 = arith.constant 0 : index
    %get3A_202 = arith.constant 0 : index
    %get3A_203 = vector.load %arg4[%get3A_200, %get3A_201, %get3A_202] : memref<26x512x26xf32, #tpu.memory_space<vmem>>, vector<1x512x26xf32>
    %get3A_204 = vector.shape_cast %get3A_203 : vector<1x512x26xf32> to vector<512x26xf32>
    %slice3A_205 = vector.extract_strided_slice %get3A_204 {offsets = [0, 11], sizes = [512, 15], strides = [1, 1]} : vector<512x26xf32> to vector<512x15xf32>
    %dot_general3A_206 = arith.constant dense<0.000000e+00> : vector<512x1024xf32>
    %dot_general3A_207 = tpu.matmul %slice3A_205, %reduce_sum3A_199, %dot_general3A_206 {dimension_numbers = #tpu.dot_dimension_numbers<[1], [0], [0], [1], [0, 0, 1, 1], [], []>, transpose_lhs_hint = false} : vector<512x15xf32>, vector<15x1024xf32>, vector<512x1024xf32> -> vector<512x1024xf32>
    %add3A_208 = arith.addf %add3A_191, %dot_general3A_207 : vector<512x1024xf32>
    %slice3A_209 = vector.extract_strided_slice %get3A_5 {offsets = [11, 0, 0], sizes = [1, 64, 1024], strides = [1, 1, 1]} : vector<26x64x1024xf32> to vector<1x64x1024xf32>
    %squeeze3A_210 = vector.shape_cast %slice3A_209 : vector<1x64x1024xf32> to vector<64x1024xf32>
    %slice3A_211 = vector.extract_strided_slice %get3A_5 {offsets = [12, 0, 0], sizes = [14, 64, 1024], strides = [1, 1, 1]} : vector<26x64x1024xf32> to vector<14x64x1024xf32>
    %broadcast_in_dim3A_212 = vector.shape_cast %squeeze3A_210 : vector<64x1024xf32> to vector<1x64x1024xf32>
    %mul3A_213 = vector.broadcast %broadcast_in_dim3A_212 : vector<1x64x1024xf32> to vector<14x64x1024xf32>
    %mul3A_214 = arith.mulf %slice3A_211, %mul3A_213 : vector<14x64x1024xf32>
    %reduce_sum3A_215 = arith.constant dense<0.000000e+00> : vector<14x1024xf32>
    %reduce_sum3A_216 = vector.multi_reduction <add>, %mul3A_214, %reduce_sum3A_215 [1] : vector<14x64x1024xf32> to vector<14x1024xf32>
    %get3A_217 = arith.constant 12 : index
    %get3A_218 = arith.constant 0 : index
    %get3A_219 = arith.constant 0 : index
    %get3A_220 = vector.load %arg4[%get3A_217, %get3A_218, %get3A_219] : memref<26x512x26xf32, #tpu.memory_space<vmem>>, vector<1x512x26xf32>
    %get3A_221 = vector.shape_cast %get3A_220 : vector<1x512x26xf32> to vector<512x26xf32>
    %slice3A_222 = vector.extract_strided_slice %get3A_221 {offsets = [0, 12], sizes = [512, 14], strides = [1, 1]} : vector<512x26xf32> to vector<512x14xf32>
    %dot_general3A_223 = arith.constant dense<0.000000e+00> : vector<512x1024xf32>
    %dot_general3A_224 = tpu.matmul %slice3A_222, %reduce_sum3A_216, %dot_general3A_223 {dimension_numbers = #tpu.dot_dimension_numbers<[1], [0], [0], [1], [0, 0, 1, 1], [], []>, transpose_lhs_hint = false} : vector<512x14xf32>, vector<14x1024xf32>, vector<512x1024xf32> -> vector<512x1024xf32>
    %add3A_225 = arith.addf %add3A_208, %dot_general3A_224 : vector<512x1024xf32>
    %slice3A_226 = vector.extract_strided_slice %get3A_5 {offsets = [12, 0, 0], sizes = [1, 64, 1024], strides = [1, 1, 1]} : vector<26x64x1024xf32> to vector<1x64x1024xf32>
    %squeeze3A_227 = vector.shape_cast %slice3A_226 : vector<1x64x1024xf32> to vector<64x1024xf32>
    %slice3A_228 = vector.extract_strided_slice %get3A_5 {offsets = [13, 0, 0], sizes = [13, 64, 1024], strides = [1, 1, 1]} : vector<26x64x1024xf32> to vector<13x64x1024xf32>
    %broadcast_in_dim3A_229 = vector.shape_cast %squeeze3A_227 : vector<64x1024xf32> to vector<1x64x1024xf32>
    %mul3A_230 = vector.broadcast %broadcast_in_dim3A_229 : vector<1x64x1024xf32> to vector<13x64x1024xf32>
    %mul3A_231 = arith.mulf %slice3A_228, %mul3A_230 : vector<13x64x1024xf32>
    %reduce_sum3A_232 = arith.constant dense<0.000000e+00> : vector<13x1024xf32>
    %reduce_sum3A_233 = vector.multi_reduction <add>, %mul3A_231, %reduce_sum3A_232 [1] : vector<13x64x1024xf32> to vector<13x1024xf32>
    %get3A_234 = arith.constant 13 : index
    %get3A_235 = arith.constant 0 : index
    %get3A_236 = arith.constant 0 : index
    %get3A_237 = vector.load %arg4[%get3A_234, %get3A_235, %get3A_236] : memref<26x512x26xf32, #tpu.memory_space<vmem>>, vector<1x512x26xf32>
    %get3A_238 = vector.shape_cast %get3A_237 : vector<1x512x26xf32> to vector<512x26xf32>
    %slice3A_239 = vector.extract_strided_slice %get3A_238 {offsets = [0, 13], sizes = [512, 13], strides = [1, 1]} : vector<512x26xf32> to vector<512x13xf32>
    %dot_general3A_240 = arith.constant dense<0.000000e+00> : vector<512x1024xf32>
    %dot_general3A_241 = tpu.matmul %slice3A_239, %reduce_sum3A_233, %dot_general3A_240 {dimension_numbers = #tpu.dot_dimension_numbers<[1], [0], [0], [1], [0, 0, 1, 1], [], []>, transpose_lhs_hint = false} : vector<512x13xf32>, vector<13x1024xf32>, vector<512x1024xf32> -> vector<512x1024xf32>
    %add3A_242 = arith.addf %add3A_225, %dot_general3A_241 : vector<512x1024xf32>
    %slice3A_243 = vector.extract_strided_slice %get3A_5 {offsets = [13, 0, 0], sizes = [1, 64, 1024], strides = [1, 1, 1]} : vector<26x64x1024xf32> to vector<1x64x1024xf32>
    %squeeze3A_244 = vector.shape_cast %slice3A_243 : vector<1x64x1024xf32> to vector<64x1024xf32>
    %slice3A_245 = vector.extract_strided_slice %get3A_5 {offsets = [14, 0, 0], sizes = [12, 64, 1024], strides = [1, 1, 1]} : vector<26x64x1024xf32> to vector<12x64x1024xf32>
    %broadcast_in_dim3A_246 = vector.shape_cast %squeeze3A_244 : vector<64x1024xf32> to vector<1x64x1024xf32>
    %mul3A_247 = vector.broadcast %broadcast_in_dim3A_246 : vector<1x64x1024xf32> to vector<12x64x1024xf32>
    %mul3A_248 = arith.mulf %slice3A_245, %mul3A_247 : vector<12x64x1024xf32>
    %reduce_sum3A_249 = arith.constant dense<0.000000e+00> : vector<12x1024xf32>
    %reduce_sum3A_250 = vector.multi_reduction <add>, %mul3A_248, %reduce_sum3A_249 [1] : vector<12x64x1024xf32> to vector<12x1024xf32>
    %get3A_251 = arith.constant 14 : index
    %get3A_252 = arith.constant 0 : index
    %get3A_253 = arith.constant 0 : index
    %get3A_254 = vector.load %arg4[%get3A_251, %get3A_252, %get3A_253] : memref<26x512x26xf32, #tpu.memory_space<vmem>>, vector<1x512x26xf32>
    %get3A_255 = vector.shape_cast %get3A_254 : vector<1x512x26xf32> to vector<512x26xf32>
    %slice3A_256 = vector.extract_strided_slice %get3A_255 {offsets = [0, 14], sizes = [512, 12], strides = [1, 1]} : vector<512x26xf32> to vector<512x12xf32>
    %dot_general3A_257 = arith.constant dense<0.000000e+00> : vector<512x1024xf32>
    %dot_general3A_258 = tpu.matmul %slice3A_256, %reduce_sum3A_250, %dot_general3A_257 {dimension_numbers = #tpu.dot_dimension_numbers<[1], [0], [0], [1], [0, 0, 1, 1], [], []>, transpose_lhs_hint = false} : vector<512x12xf32>, vector<12x1024xf32>, vector<512x1024xf32> -> vector<512x1024xf32>
    %add3A_259 = arith.addf %add3A_242, %dot_general3A_258 : vector<512x1024xf32>
    %slice3A_260 = vector.extract_strided_slice %get3A_5 {offsets = [14, 0, 0], sizes = [1, 64, 1024], strides = [1, 1, 1]} : vector<26x64x1024xf32> to vector<1x64x1024xf32>
    %squeeze3A_261 = vector.shape_cast %slice3A_260 : vector<1x64x1024xf32> to vector<64x1024xf32>
    %slice3A_262 = vector.extract_strided_slice %get3A_5 {offsets = [15, 0, 0], sizes = [11, 64, 1024], strides = [1, 1, 1]} : vector<26x64x1024xf32> to vector<11x64x1024xf32>
    %broadcast_in_dim3A_263 = vector.shape_cast %squeeze3A_261 : vector<64x1024xf32> to vector<1x64x1024xf32>
    %mul3A_264 = vector.broadcast %broadcast_in_dim3A_263 : vector<1x64x1024xf32> to vector<11x64x1024xf32>
    %mul3A_265 = arith.mulf %slice3A_262, %mul3A_264 : vector<11x64x1024xf32>
    %reduce_sum3A_266 = arith.constant dense<0.000000e+00> : vector<11x1024xf32>
    %reduce_sum3A_267 = vector.multi_reduction <add>, %mul3A_265, %reduce_sum3A_266 [1] : vector<11x64x1024xf32> to vector<11x1024xf32>
    %get3A_268 = arith.constant 15 : index
    %get3A_269 = arith.constant 0 : index
    %get3A_270 = arith.constant 0 : index
    %get3A_271 = vector.load %arg4[%get3A_268, %get3A_269, %get3A_270] : memref<26x512x26xf32, #tpu.memory_space<vmem>>, vector<1x512x26xf32>
    %get3A_272 = vector.shape_cast %get3A_271 : vector<1x512x26xf32> to vector<512x26xf32>
    %slice3A_273 = vector.extract_strided_slice %get3A_272 {offsets = [0, 15], sizes = [512, 11], strides = [1, 1]} : vector<512x26xf32> to vector<512x11xf32>
    %dot_general3A_274 = arith.constant dense<0.000000e+00> : vector<512x1024xf32>
    %dot_general3A_275 = tpu.matmul %slice3A_273, %reduce_sum3A_267, %dot_general3A_274 {dimension_numbers = #tpu.dot_dimension_numbers<[1], [0], [0], [1], [0, 0, 1, 1], [], []>, transpose_lhs_hint = false} : vector<512x11xf32>, vector<11x1024xf32>, vector<512x1024xf32> -> vector<512x1024xf32>
    %add3A_276 = arith.addf %add3A_259, %dot_general3A_275 : vector<512x1024xf32>
    %slice3A_277 = vector.extract_strided_slice %get3A_5 {offsets = [15, 0, 0], sizes = [1, 64, 1024], strides = [1, 1, 1]} : vector<26x64x1024xf32> to vector<1x64x1024xf32>
    %squeeze3A_278 = vector.shape_cast %slice3A_277 : vector<1x64x1024xf32> to vector<64x1024xf32>
    %slice3A_279 = vector.extract_strided_slice %get3A_5 {offsets = [16, 0, 0], sizes = [10, 64, 1024], strides = [1, 1, 1]} : vector<26x64x1024xf32> to vector<10x64x1024xf32>
    %broadcast_in_dim3A_280 = vector.shape_cast %squeeze3A_278 : vector<64x1024xf32> to vector<1x64x1024xf32>
    %mul3A_281 = vector.broadcast %broadcast_in_dim3A_280 : vector<1x64x1024xf32> to vector<10x64x1024xf32>
    %mul3A_282 = arith.mulf %slice3A_279, %mul3A_281 : vector<10x64x1024xf32>
    %reduce_sum3A_283 = arith.constant dense<0.000000e+00> : vector<10x1024xf32>
    %reduce_sum3A_284 = vector.multi_reduction <add>, %mul3A_282, %reduce_sum3A_283 [1] : vector<10x64x1024xf32> to vector<10x1024xf32>
    %get3A_285 = arith.constant 16 : index
    %get3A_286 = arith.constant 0 : index
    %get3A_287 = arith.constant 0 : index
    %get3A_288 = vector.load %arg4[%get3A_285, %get3A_286, %get3A_287] : memref<26x512x26xf32, #tpu.memory_space<vmem>>, vector<1x512x26xf32>
    %get3A_289 = vector.shape_cast %get3A_288 : vector<1x512x26xf32> to vector<512x26xf32>
    %slice3A_290 = vector.extract_strided_slice %get3A_289 {offsets = [0, 16], sizes = [512, 10], strides = [1, 1]} : vector<512x26xf32> to vector<512x10xf32>
    %dot_general3A_291 = arith.constant dense<0.000000e+00> : vector<512x1024xf32>
    %dot_general3A_292 = tpu.matmul %slice3A_290, %reduce_sum3A_284, %dot_general3A_291 {dimension_numbers = #tpu.dot_dimension_numbers<[1], [0], [0], [1], [0, 0, 1, 1], [], []>, transpose_lhs_hint = false} : vector<512x10xf32>, vector<10x1024xf32>, vector<512x1024xf32> -> vector<512x1024xf32>
    %add3A_293 = arith.addf %add3A_276, %dot_general3A_292 : vector<512x1024xf32>
    %slice3A_294 = vector.extract_strided_slice %get3A_5 {offsets = [16, 0, 0], sizes = [1, 64, 1024], strides = [1, 1, 1]} : vector<26x64x1024xf32> to vector<1x64x1024xf32>
    %squeeze3A_295 = vector.shape_cast %slice3A_294 : vector<1x64x1024xf32> to vector<64x1024xf32>
    %slice3A_296 = vector.extract_strided_slice %get3A_5 {offsets = [17, 0, 0], sizes = [9, 64, 1024], strides = [1, 1, 1]} : vector<26x64x1024xf32> to vector<9x64x1024xf32>
    %broadcast_in_dim3A_297 = vector.shape_cast %squeeze3A_295 : vector<64x1024xf32> to vector<1x64x1024xf32>
    %mul3A_298 = vector.broadcast %broadcast_in_dim3A_297 : vector<1x64x1024xf32> to vector<9x64x1024xf32>
    %mul3A_299 = arith.mulf %slice3A_296, %mul3A_298 : vector<9x64x1024xf32>
    %reduce_sum3A_300 = arith.constant dense<0.000000e+00> : vector<9x1024xf32>
    %reduce_sum3A_301 = vector.multi_reduction <add>, %mul3A_299, %reduce_sum3A_300 [1] : vector<9x64x1024xf32> to vector<9x1024xf32>
    %get3A_302 = arith.constant 17 : index
    %get3A_303 = arith.constant 0 : index
    %get3A_304 = arith.constant 0 : index
    %get3A_305 = vector.load %arg4[%get3A_302, %get3A_303, %get3A_304] : memref<26x512x26xf32, #tpu.memory_space<vmem>>, vector<1x512x26xf32>
    %get3A_306 = vector.shape_cast %get3A_305 : vector<1x512x26xf32> to vector<512x26xf32>
    %slice3A_307 = vector.extract_strided_slice %get3A_306 {offsets = [0, 17], sizes = [512, 9], strides = [1, 1]} : vector<512x26xf32> to vector<512x9xf32>
    %dot_general3A_308 = arith.constant dense<0.000000e+00> : vector<512x1024xf32>
    %dot_general3A_309 = tpu.matmul %slice3A_307, %reduce_sum3A_301, %dot_general3A_308 {dimension_numbers = #tpu.dot_dimension_numbers<[1], [0], [0], [1], [0, 0, 1, 1], [], []>, transpose_lhs_hint = false} : vector<512x9xf32>, vector<9x1024xf32>, vector<512x1024xf32> -> vector<512x1024xf32>
    %add3A_310 = arith.addf %add3A_293, %dot_general3A_309 : vector<512x1024xf32>
    %slice3A_311 = vector.extract_strided_slice %get3A_5 {offsets = [17, 0, 0], sizes = [1, 64, 1024], strides = [1, 1, 1]} : vector<26x64x1024xf32> to vector<1x64x1024xf32>
    %squeeze3A_312 = vector.shape_cast %slice3A_311 : vector<1x64x1024xf32> to vector<64x1024xf32>
    %slice3A_313 = vector.extract_strided_slice %get3A_5 {offsets = [18, 0, 0], sizes = [8, 64, 1024], strides = [1, 1, 1]} : vector<26x64x1024xf32> to vector<8x64x1024xf32>
    %broadcast_in_dim3A_314 = vector.shape_cast %squeeze3A_312 : vector<64x1024xf32> to vector<1x64x1024xf32>
    %mul3A_315 = vector.broadcast %broadcast_in_dim3A_314 : vector<1x64x1024xf32> to vector<8x64x1024xf32>
    %mul3A_316 = arith.mulf %slice3A_313, %mul3A_315 : vector<8x64x1024xf32>
    %reduce_sum3A_317 = arith.constant dense<0.000000e+00> : vector<8x1024xf32>
    %reduce_sum3A_318 = vector.multi_reduction <add>, %mul3A_316, %reduce_sum3A_317 [1] : vector<8x64x1024xf32> to vector<8x1024xf32>
    %get3A_319 = arith.constant 18 : index
    %get3A_320 = arith.constant 0 : index
    %get3A_321 = arith.constant 0 : index
    %get3A_322 = vector.load %arg4[%get3A_319, %get3A_320, %get3A_321] : memref<26x512x26xf32, #tpu.memory_space<vmem>>, vector<1x512x26xf32>
    %get3A_323 = vector.shape_cast %get3A_322 : vector<1x512x26xf32> to vector<512x26xf32>
    %slice3A_324 = vector.extract_strided_slice %get3A_323 {offsets = [0, 18], sizes = [512, 8], strides = [1, 1]} : vector<512x26xf32> to vector<512x8xf32>
    %dot_general3A_325 = arith.constant dense<0.000000e+00> : vector<512x1024xf32>
    %dot_general3A_326 = tpu.matmul %slice3A_324, %reduce_sum3A_318, %dot_general3A_325 {dimension_numbers = #tpu.dot_dimension_numbers<[1], [0], [0], [1], [0, 0, 1, 1], [], []>, transpose_lhs_hint = false} : vector<512x8xf32>, vector<8x1024xf32>, vector<512x1024xf32> -> vector<512x1024xf32>
    %add3A_327 = arith.addf %add3A_310, %dot_general3A_326 : vector<512x1024xf32>
    %slice3A_328 = vector.extract_strided_slice %get3A_5 {offsets = [18, 0, 0], sizes = [1, 64, 1024], strides = [1, 1, 1]} : vector<26x64x1024xf32> to vector<1x64x1024xf32>
    %squeeze3A_329 = vector.shape_cast %slice3A_328 : vector<1x64x1024xf32> to vector<64x1024xf32>
    %slice3A_330 = vector.extract_strided_slice %get3A_5 {offsets = [19, 0, 0], sizes = [7, 64, 1024], strides = [1, 1, 1]} : vector<26x64x1024xf32> to vector<7x64x1024xf32>
    %broadcast_in_dim3A_331 = vector.shape_cast %squeeze3A_329 : vector<64x1024xf32> to vector<1x64x1024xf32>
    %mul3A_332 = vector.broadcast %broadcast_in_dim3A_331 : vector<1x64x1024xf32> to vector<7x64x1024xf32>
    %mul3A_333 = arith.mulf %slice3A_330, %mul3A_332 : vector<7x64x1024xf32>
    %reduce_sum3A_334 = arith.constant dense<0.000000e+00> : vector<7x1024xf32>
    %reduce_sum3A_335 = vector.multi_reduction <add>, %mul3A_333, %reduce_sum3A_334 [1] : vector<7x64x1024xf32> to vector<7x1024xf32>
    %get3A_336 = arith.constant 19 : index
    %get3A_337 = arith.constant 0 : index
    %get3A_338 = arith.constant 0 : index
    %get3A_339 = vector.load %arg4[%get3A_336, %get3A_337, %get3A_338] : memref<26x512x26xf32, #tpu.memory_space<vmem>>, vector<1x512x26xf32>
    %get3A_340 = vector.shape_cast %get3A_339 : vector<1x512x26xf32> to vector<512x26xf32>
    %slice3A_341 = vector.extract_strided_slice %get3A_340 {offsets = [0, 19], sizes = [512, 7], strides = [1, 1]} : vector<512x26xf32> to vector<512x7xf32>
    %dot_general3A_342 = arith.constant dense<0.000000e+00> : vector<512x1024xf32>
    %dot_general3A_343 = tpu.matmul %slice3A_341, %reduce_sum3A_335, %dot_general3A_342 {dimension_numbers = #tpu.dot_dimension_numbers<[1], [0], [0], [1], [0, 0, 1, 1], [], []>, transpose_lhs_hint = false} : vector<512x7xf32>, vector<7x1024xf32>, vector<512x1024xf32> -> vector<512x1024xf32>
    %add3A_344 = arith.addf %add3A_327, %dot_general3A_343 : vector<512x1024xf32>
    %slice3A_345 = vector.extract_strided_slice %get3A_5 {offsets = [19, 0, 0], sizes = [1, 64, 1024], strides = [1, 1, 1]} : vector<26x64x1024xf32> to vector<1x64x1024xf32>
    %squeeze3A_346 = vector.shape_cast %slice3A_345 : vector<1x64x1024xf32> to vector<64x1024xf32>
    %slice3A_347 = vector.extract_strided_slice %get3A_5 {offsets = [20, 0, 0], sizes = [6, 64, 1024], strides = [1, 1, 1]} : vector<26x64x1024xf32> to vector<6x64x1024xf32>
    %broadcast_in_dim3A_348 = vector.shape_cast %squeeze3A_346 : vector<64x1024xf32> to vector<1x64x1024xf32>
    %mul3A_349 = vector.broadcast %broadcast_in_dim3A_348 : vector<1x64x1024xf32> to vector<6x64x1024xf32>
    %mul3A_350 = arith.mulf %slice3A_347, %mul3A_349 : vector<6x64x1024xf32>
    %reduce_sum3A_351 = arith.constant dense<0.000000e+00> : vector<6x1024xf32>
    %reduce_sum3A_352 = vector.multi_reduction <add>, %mul3A_350, %reduce_sum3A_351 [1] : vector<6x64x1024xf32> to vector<6x1024xf32>
    %get3A_353 = arith.constant 20 : index
    %get3A_354 = arith.constant 0 : index
    %get3A_355 = arith.constant 0 : index
    %get3A_356 = vector.load %arg4[%get3A_353, %get3A_354, %get3A_355] : memref<26x512x26xf32, #tpu.memory_space<vmem>>, vector<1x512x26xf32>
    %get3A_357 = vector.shape_cast %get3A_356 : vector<1x512x26xf32> to vector<512x26xf32>
    %slice3A_358 = vector.extract_strided_slice %get3A_357 {offsets = [0, 20], sizes = [512, 6], strides = [1, 1]} : vector<512x26xf32> to vector<512x6xf32>
    %dot_general3A_359 = arith.constant dense<0.000000e+00> : vector<512x1024xf32>
    %dot_general3A_360 = tpu.matmul %slice3A_358, %reduce_sum3A_352, %dot_general3A_359 {dimension_numbers = #tpu.dot_dimension_numbers<[1], [0], [0], [1], [0, 0, 1, 1], [], []>, transpose_lhs_hint = false} : vector<512x6xf32>, vector<6x1024xf32>, vector<512x1024xf32> -> vector<512x1024xf32>
    %add3A_361 = arith.addf %add3A_344, %dot_general3A_360 : vector<512x1024xf32>
    %slice3A_362 = vector.extract_strided_slice %get3A_5 {offsets = [20, 0, 0], sizes = [1, 64, 1024], strides = [1, 1, 1]} : vector<26x64x1024xf32> to vector<1x64x1024xf32>
    %squeeze3A_363 = vector.shape_cast %slice3A_362 : vector<1x64x1024xf32> to vector<64x1024xf32>
    %slice3A_364 = vector.extract_strided_slice %get3A_5 {offsets = [21, 0, 0], sizes = [5, 64, 1024], strides = [1, 1, 1]} : vector<26x64x1024xf32> to vector<5x64x1024xf32>
    %broadcast_in_dim3A_365 = vector.shape_cast %squeeze3A_363 : vector<64x1024xf32> to vector<1x64x1024xf32>
    %mul3A_366 = vector.broadcast %broadcast_in_dim3A_365 : vector<1x64x1024xf32> to vector<5x64x1024xf32>
    %mul3A_367 = arith.mulf %slice3A_364, %mul3A_366 : vector<5x64x1024xf32>
    %reduce_sum3A_368 = arith.constant dense<0.000000e+00> : vector<5x1024xf32>
    %reduce_sum3A_369 = vector.multi_reduction <add>, %mul3A_367, %reduce_sum3A_368 [1] : vector<5x64x1024xf32> to vector<5x1024xf32>
    %get3A_370 = arith.constant 21 : index
    %get3A_371 = arith.constant 0 : index
    %get3A_372 = arith.constant 0 : index
    %get3A_373 = vector.load %arg4[%get3A_370, %get3A_371, %get3A_372] : memref<26x512x26xf32, #tpu.memory_space<vmem>>, vector<1x512x26xf32>
    %get3A_374 = vector.shape_cast %get3A_373 : vector<1x512x26xf32> to vector<512x26xf32>
    %slice3A_375 = vector.extract_strided_slice %get3A_374 {offsets = [0, 21], sizes = [512, 5], strides = [1, 1]} : vector<512x26xf32> to vector<512x5xf32>
    %dot_general3A_376 = arith.constant dense<0.000000e+00> : vector<512x1024xf32>
    %dot_general3A_377 = tpu.matmul %slice3A_375, %reduce_sum3A_369, %dot_general3A_376 {dimension_numbers = #tpu.dot_dimension_numbers<[1], [0], [0], [1], [0, 0, 1, 1], [], []>, transpose_lhs_hint = false} : vector<512x5xf32>, vector<5x1024xf32>, vector<512x1024xf32> -> vector<512x1024xf32>
    %add3A_378 = arith.addf %add3A_361, %dot_general3A_377 : vector<512x1024xf32>
    %slice3A_379 = vector.extract_strided_slice %get3A_5 {offsets = [21, 0, 0], sizes = [1, 64, 1024], strides = [1, 1, 1]} : vector<26x64x1024xf32> to vector<1x64x1024xf32>
    %squeeze3A_380 = vector.shape_cast %slice3A_379 : vector<1x64x1024xf32> to vector<64x1024xf32>
    %slice3A_381 = vector.extract_strided_slice %get3A_5 {offsets = [22, 0, 0], sizes = [4, 64, 1024], strides = [1, 1, 1]} : vector<26x64x1024xf32> to vector<4x64x1024xf32>
    %broadcast_in_dim3A_382 = vector.shape_cast %squeeze3A_380 : vector<64x1024xf32> to vector<1x64x1024xf32>
    %mul3A_383 = vector.broadcast %broadcast_in_dim3A_382 : vector<1x64x1024xf32> to vector<4x64x1024xf32>
    %mul3A_384 = arith.mulf %slice3A_381, %mul3A_383 : vector<4x64x1024xf32>
    %reduce_sum3A_385 = arith.constant dense<0.000000e+00> : vector<4x1024xf32>
    %reduce_sum3A_386 = vector.multi_reduction <add>, %mul3A_384, %reduce_sum3A_385 [1] : vector<4x64x1024xf32> to vector<4x1024xf32>
    %get3A_387 = arith.constant 22 : index
    %get3A_388 = arith.constant 0 : index
    %get3A_389 = arith.constant 0 : index
    %get3A_390 = vector.load %arg4[%get3A_387, %get3A_388, %get3A_389] : memref<26x512x26xf32, #tpu.memory_space<vmem>>, vector<1x512x26xf32>
    %get3A_391 = vector.shape_cast %get3A_390 : vector<1x512x26xf32> to vector<512x26xf32>
    %slice3A_392 = vector.extract_strided_slice %get3A_391 {offsets = [0, 22], sizes = [512, 4], strides = [1, 1]} : vector<512x26xf32> to vector<512x4xf32>
    %dot_general3A_393 = arith.constant dense<0.000000e+00> : vector<512x1024xf32>
    %dot_general3A_394 = tpu.matmul %slice3A_392, %reduce_sum3A_386, %dot_general3A_393 {dimension_numbers = #tpu.dot_dimension_numbers<[1], [0], [0], [1], [0, 0, 1, 1], [], []>, transpose_lhs_hint = false} : vector<512x4xf32>, vector<4x1024xf32>, vector<512x1024xf32> -> vector<512x1024xf32>
    %add3A_395 = arith.addf %add3A_378, %dot_general3A_394 : vector<512x1024xf32>
    %slice3A_396 = vector.extract_strided_slice %get3A_5 {offsets = [22, 0, 0], sizes = [1, 64, 1024], strides = [1, 1, 1]} : vector<26x64x1024xf32> to vector<1x64x1024xf32>
    %squeeze3A_397 = vector.shape_cast %slice3A_396 : vector<1x64x1024xf32> to vector<64x1024xf32>
    %slice3A_398 = vector.extract_strided_slice %get3A_5 {offsets = [23, 0, 0], sizes = [3, 64, 1024], strides = [1, 1, 1]} : vector<26x64x1024xf32> to vector<3x64x1024xf32>
    %broadcast_in_dim3A_399 = vector.shape_cast %squeeze3A_397 : vector<64x1024xf32> to vector<1x64x1024xf32>
    %mul3A_400 = vector.broadcast %broadcast_in_dim3A_399 : vector<1x64x1024xf32> to vector<3x64x1024xf32>
    %mul3A_401 = arith.mulf %slice3A_398, %mul3A_400 : vector<3x64x1024xf32>
    %reduce_sum3A_402 = arith.constant dense<0.000000e+00> : vector<3x1024xf32>
    %reduce_sum3A_403 = vector.multi_reduction <add>, %mul3A_401, %reduce_sum3A_402 [1] : vector<3x64x1024xf32> to vector<3x1024xf32>
    %get3A_404 = arith.constant 23 : index
    %get3A_405 = arith.constant 0 : index
    %get3A_406 = arith.constant 0 : index
    %get3A_407 = vector.load %arg4[%get3A_404, %get3A_405, %get3A_406] : memref<26x512x26xf32, #tpu.memory_space<vmem>>, vector<1x512x26xf32>
    %get3A_408 = vector.shape_cast %get3A_407 : vector<1x512x26xf32> to vector<512x26xf32>
    %slice3A_409 = vector.extract_strided_slice %get3A_408 {offsets = [0, 23], sizes = [512, 3], strides = [1, 1]} : vector<512x26xf32> to vector<512x3xf32>
    %dot_general3A_410 = arith.constant dense<0.000000e+00> : vector<512x1024xf32>
    %dot_general3A_411 = tpu.matmul %slice3A_409, %reduce_sum3A_403, %dot_general3A_410 {dimension_numbers = #tpu.dot_dimension_numbers<[1], [0], [0], [1], [0, 0, 1, 1], [], []>, transpose_lhs_hint = false} : vector<512x3xf32>, vector<3x1024xf32>, vector<512x1024xf32> -> vector<512x1024xf32>
    %add3A_412 = arith.addf %add3A_395, %dot_general3A_411 : vector<512x1024xf32>
    %slice3A_413 = vector.extract_strided_slice %get3A_5 {offsets = [23, 0, 0], sizes = [1, 64, 1024], strides = [1, 1, 1]} : vector<26x64x1024xf32> to vector<1x64x1024xf32>
    %squeeze3A_414 = vector.shape_cast %slice3A_413 : vector<1x64x1024xf32> to vector<64x1024xf32>
    %slice3A_415 = vector.extract_strided_slice %get3A_5 {offsets = [24, 0, 0], sizes = [2, 64, 1024], strides = [1, 1, 1]} : vector<26x64x1024xf32> to vector<2x64x1024xf32>
    %broadcast_in_dim3A_416 = vector.shape_cast %squeeze3A_414 : vector<64x1024xf32> to vector<1x64x1024xf32>
    %mul3A_417 = vector.broadcast %broadcast_in_dim3A_416 : vector<1x64x1024xf32> to vector<2x64x1024xf32>
    %mul3A_418 = arith.mulf %slice3A_415, %mul3A_417 : vector<2x64x1024xf32>
    %reduce_sum3A_419 = arith.constant dense<0.000000e+00> : vector<2x1024xf32>
    %reduce_sum3A_420 = vector.multi_reduction <add>, %mul3A_418, %reduce_sum3A_419 [1] : vector<2x64x1024xf32> to vector<2x1024xf32>
    %get3A_421 = arith.constant 24 : index
    %get3A_422 = arith.constant 0 : index
    %get3A_423 = arith.constant 0 : index
    %get3A_424 = vector.load %arg4[%get3A_421, %get3A_422, %get3A_423] : memref<26x512x26xf32, #tpu.memory_space<vmem>>, vector<1x512x26xf32>
    %get3A_425 = vector.shape_cast %get3A_424 : vector<1x512x26xf32> to vector<512x26xf32>
    %slice3A_426 = vector.extract_strided_slice %get3A_425 {offsets = [0, 24], sizes = [512, 2], strides = [1, 1]} : vector<512x26xf32> to vector<512x2xf32>
    %dot_general3A_427 = arith.constant dense<0.000000e+00> : vector<512x1024xf32>
    %dot_general3A_428 = tpu.matmul %slice3A_426, %reduce_sum3A_420, %dot_general3A_427 {dimension_numbers = #tpu.dot_dimension_numbers<[1], [0], [0], [1], [0, 0, 1, 1], [], []>, transpose_lhs_hint = false} : vector<512x2xf32>, vector<2x1024xf32>, vector<512x1024xf32> -> vector<512x1024xf32>
    %add3A_429 = arith.addf %add3A_412, %dot_general3A_428 : vector<512x1024xf32>
    %slice3A_430 = vector.extract_strided_slice %get3A_5 {offsets = [24, 0, 0], sizes = [1, 64, 1024], strides = [1, 1, 1]} : vector<26x64x1024xf32> to vector<1x64x1024xf32>
    %squeeze3A_431 = vector.shape_cast %slice3A_430 : vector<1x64x1024xf32> to vector<64x1024xf32>
    %slice3A_432 = vector.extract_strided_slice %get3A_5 {offsets = [25, 0, 0], sizes = [1, 64, 1024], strides = [1, 1, 1]} : vector<26x64x1024xf32> to vector<1x64x1024xf32>
    %broadcast_in_dim3A_433 = vector.shape_cast %squeeze3A_431 : vector<64x1024xf32> to vector<1x64x1024xf32>
    %mul3A_434 = arith.mulf %slice3A_432, %broadcast_in_dim3A_433 : vector<1x64x1024xf32>
    %reduce_sum3A_435 = arith.constant dense<0.000000e+00> : vector<1x1024xf32>
    %reduce_sum3A_436 = vector.multi_reduction <add>, %mul3A_434, %reduce_sum3A_435 [1] : vector<1x64x1024xf32> to vector<1x1024xf32>
    %get3A_437 = arith.constant 25 : index
    %get3A_438 = arith.constant 0 : index
    %get3A_439 = arith.constant 0 : index
    %get3A_440 = vector.load %arg4[%get3A_437, %get3A_438, %get3A_439] : memref<26x512x26xf32, #tpu.memory_space<vmem>>, vector<1x512x26xf32>
    %get3A_441 = vector.shape_cast %get3A_440 : vector<1x512x26xf32> to vector<512x26xf32>
    %slice3A_442 = vector.extract_strided_slice %get3A_441 {offsets = [0, 25], sizes = [512, 1], strides = [1, 1]} : vector<512x26xf32> to vector<512x1xf32>
    %dot_general3A_443 = arith.constant dense<0.000000e+00> : vector<512x1024xf32>
    %dot_general3A_444 = tpu.matmul %slice3A_442, %reduce_sum3A_436, %dot_general3A_443 {dimension_numbers = #tpu.dot_dimension_numbers<[1], [0], [0], [1], [0, 0, 1, 1], [], []>, transpose_lhs_hint = false} : vector<512x1xf32>, vector<1x1024xf32>, vector<512x1024xf32> -> vector<512x1024xf32>
    %add3A_445 = arith.addf %add3A_429, %dot_general3A_444 : vector<512x1024xf32>
    %max3A = arith.constant 0.000000e+00 : f32
    %max3A_446 = vector.broadcast %max3A : f32 to vector<512x1024xf32>
    %max3A_447 = arith.maximumf %add3A_445, %max3A_446 : vector<512x1024xf32>
    %get3A_448 = arith.constant 0 : index
    %get3A_449 = arith.constant 0 : index
    %get3A_450 = vector.load %arg6[%get3A_448, %get3A_449] : memref<256x512xf32, #tpu.memory_space<vmem>>, vector<256x512xf32>
    %dot_general3A_451 = arith.constant dense<0.000000e+00> : vector<256x1024xf32>
    %dot_general3A_452 = tpu.matmul %get3A_450, %max3A_447, %dot_general3A_451 {dimension_numbers = #tpu.dot_dimension_numbers<[1], [0], [0], [1], [0, 0, 1, 1], [], []>, transpose_lhs_hint = false} : vector<256x512xf32>, vector<512x1024xf32>, vector<256x1024xf32> -> vector<256x1024xf32>
    %get3A_453 = arith.constant 0 : index
    %get3A_454 = arith.constant 0 : index
    %get3A_455 = vector.load %arg7[%get3A_453, %get3A_454] : memref<256x1xf32, #tpu.memory_space<vmem>>, vector<256x1xf32>
    %add3A_456 = vector.broadcast %get3A_455 : vector<256x1xf32> to vector<256x1024xf32>
    %add3A_457 = arith.addf %dot_general3A_452, %add3A_456 : vector<256x1024xf32>
    %max3A_458 = arith.constant 0.000000e+00 : f32
    %max3A_459 = vector.broadcast %max3A_458 : f32 to vector<256x1024xf32>
    %max3A_460 = arith.maximumf %add3A_457, %max3A_459 : vector<256x1024xf32>
    %get3A_461 = arith.constant 0 : index
    %get3A_462 = arith.constant 0 : index
    %get3A_463 = vector.load %arg8[%get3A_461, %get3A_462] : memref<1x256xf32, #tpu.memory_space<vmem>>, vector<1x256xf32>
    %dot_general3A_464 = arith.constant dense<0.000000e+00> : vector<1x1024xf32>
    %dot_general3A_465 = tpu.matmul %get3A_463, %max3A_460, %dot_general3A_464 {dimension_numbers = #tpu.dot_dimension_numbers<[1], [0], [0], [1], [0, 0, 1, 1], [], []>, transpose_lhs_hint = false} : vector<1x256xf32>, vector<256x1024xf32>, vector<1x1024xf32> -> vector<1x1024xf32>
    %get3A_466 = arith.constant 0 : index
    %get3A_467 = arith.constant 0 : index
    %get3A_468 = vector.load %arg9[%get3A_466, %get3A_467] : memref<1x1xf32, #tpu.memory_space<vmem>>, vector<1x1xf32>
    %add3A_469 = vector.broadcast %get3A_468 : vector<1x1xf32> to vector<1x1024xf32>
    %add3A_470 = arith.addf %dot_general3A_465, %add3A_469 : vector<1x1024xf32>
    %logistic3A = arith.negf %add3A_470 : vector<1x1024xf32>
    %logistic3A_471 = math.exp %logistic3A : vector<1x1024xf32>
    %logistic3A_472 = arith.constant 1.000000e+00 : f32
    %logistic3A_473 = vector.broadcast %logistic3A_472 : f32 to vector<1x1024xf32>
    %logistic3A_474 = arith.addf %logistic3A_473, %logistic3A_471 : vector<1x1024xf32>
    %logistic3A_475 = arith.divf %logistic3A_473, %logistic3A_474 : vector<1x1024xf32>
    %swap3A = arith.constant 0 : index
    %swap3A_476 = arith.constant 0 : index
    %swap3A_477 = vector.load %arg10[%swap3A, %swap3A_476] : memref<1x1024xf32, #tpu.memory_space<vmem>>, vector<1x1024xf32>
    tpu.vector_store %arg10[%swap3A, %swap3A_476], %logistic3A_475 {strides = array<i32>} : memref<1x1024xf32, #tpu.memory_space<vmem>>, vector<1x1024xf32>,
    return
  }
  func.func @transform_0(%arg0: i32) -> (i32, i32) {
    %c0_i32 = arith.constant 0 : i32
    %c0_i32_0 = arith.constant 0 : i32
    return %c0_i32, %arg0 : i32, i32
  }
  func.func @transform_1(%arg0: i32) -> (i32, i32, i32) {
    %c0_i32 = arith.constant 0 : i32
    %c0_i32_0 = arith.constant 0 : i32
    %c0_i32_1 = arith.constant 0 : i32
    return %c0_i32, %c0_i32_0, %arg0 : i32, i32, i32
  }
  func.func @transform_2(%arg0: i32) -> (i32, i32) {
    %c0_i32 = arith.constant 0 : i32
    %c0_i32_0 = arith.constant 0 : i32
    %c0_i32_1 = arith.constant 0 : i32
    return %c0_i32, %c0_i32_0 : i32, i32
  }
  func.func @transform_3(%arg0: i32) -> (i32, i32, i32) {
    %c0_i32 = arith.constant 0 : i32
    %c0_i32_0 = arith.constant 0 : i32
    %c0_i32_1 = arith.constant 0 : i32
    %c0_i32_2 = arith.constant 0 : i32
    return %c0_i32, %c0_i32_0, %c0_i32_1 : i32, i32, i32
  }
  func.func @transform_4(%arg0: i32) -> (i32, i32) {
    %c0_i32 = arith.constant 0 : i32
    %c0_i32_0 = arith.constant 0 : i32
    %c0_i32_1 = arith.constant 0 : i32
    return %c0_i32, %c0_i32_0 : i32, i32
  }
  func.func @transform_5(%arg0: i32) -> (i32, i32) {
    %c0_i32 = arith.constant 0 : i32
    %c0_i32_0 = arith.constant 0 : i32
    %c0_i32_1 = arith.constant 0 : i32
    return %c0_i32, %c0_i32_0 : i32, i32
  }
  func.func @transform_6(%arg0: i32) -> (i32, i32) {
    %c0_i32 = arith.constant 0 : i32
    %c0_i32_0 = arith.constant 0 : i32
    %c0_i32_1 = arith.constant 0 : i32
    return %c0_i32, %c0_i32_0 : i32, i32
  }
  func.func @transform_7(%arg0: i32) -> (i32, i32) {
    %c0_i32 = arith.constant 0 : i32
    %c0_i32_0 = arith.constant 0 : i32
    %c0_i32_1 = arith.constant 0 : i32
    return %c0_i32, %c0_i32_0 : i32, i32
  }
  func.func @transform_8(%arg0: i32) -> (i32, i32) {
    %c0_i32 = arith.constant 0 : i32
    %c0_i32_0 = arith.constant 0 : i32
    %c0_i32_1 = arith.constant 0 : i32
    return %c0_i32, %c0_i32_0 : i32, i32
  }
  func.func @transform_9(%arg0: i32) -> (i32, i32) {
    %c0_i32 = arith.constant 0 : i32
    %c0_i32_0 = arith.constant 0 : i32
    return %c0_i32, %arg0 : i32, i32
  }
}

</mosaic_0001>

<sc_bundles>
// kernel: kernel.5.cloned.1.call-start
scs
__scs_entry_jumppad:
0x0: {  	(pc) =	sbr.rel $0x88, $3  }
0x1: {  	(tag) =	ssettag $0x0;
	lr =	simm.s32 $0x1  }
0x2: {  	[smem:$0x3F92] =	sst lr;
	_ =	strace $0xD0000000  }
0x3: {  	_ = 	snop  }
0x4: {  	_ = 	snop  }
0x5: {  	_ = 	snop  }
0x6: {  	_ = 	snop  }
0x7: {  	_ = 	snop  }
__scs_overlays_trampoline_lowered:
0x8: {  	[smem:$0x3FA1] =	sst s0  }
0x9: {  	[smem:$0x3FA2] =	sst s1  }
0xa: {  	[smem:$0x3FA3] =	sst s2  }
0xb: {  	[smem:$0x3FA4] =	sst s3  }
0xc: {  	[smem:$0x3FA5] =	sst s4  }
0xd: {  	[smem:$0x3FA6] =	sst s5  }
0xe: {  	[smem:$0x3FA7] =	sst s6  }
0xf: {  	[smem:$0x3FA8] =	sst s7  }
0x10: {  	[smem:$0x3FA9] =	sst s8  }
0x11: {  	[smem:$0x3FAA] =	sst s9;
	s0 =	simm.s32 @!p0 $0x0  }
0x12: {  	s1 =	sld [smem:$0x3F90];
	s0 =	simm.s32 @p0 $0x1  }
0x13: {  	[smem:$0x3FAB] =	sst s0;
	s0 =	simm.s32 @!p1 $0x0  }
0x14: {  	s2 =	sld [smem:$0x3F8F];
	s0 =	simm.s32 @p1 $0x1  }
0x15: {  	[smem:$0x3FAC] =	sst s0;
	s0 =	simm.s32 @!p2 $0x0  }
0x16: {  	s3 =	sld [smem:$0x3FDB];
	s0 =	simm.s32 @p2 $0x1  }
0x17: {  	s4 =	simm.s32 $0x1BF5;
	[smem:$0x3FAE] =	sst s0  }
0x18: {  	s0 =	sld [smem:$0x3F91];
	_ =	swait.ge [sflag:s4], $0x0  }
0x19: {  	s7 =	sld [smem:$0x3F92]  }
0x1a: {  	s8 =	sadd.s32 $0xFFFFE003, lr  }
0x1b: {  	s9 =	sadd.s32 $0xFFFFFEF7, lr;
	s5 =	simm.s32 $0xFFFFFFFF;
	p2 =	slt.u32 s8, $0xFFFFF086  }
0x1c: {  	p1 =	slt.u32 s9, $0xF7A;
	s5 =	simm.s32 @!p2 $0x0  }
0x1d: {  	s5 =	simm.s32 @p1 $0x1;
	p0 =	seq.s32 s7, s2  }
0x1e: {  	s7 =	smul.u32 @!p0 $0xF7A, s2;
	p2 =	seq.s32 @!p0 s5, $0x0  }
0x1f: {  	s9 =	smul.u32 $0xF7A, s1;
	s8 =	simm.s32 @!p0 $0x1BF5;
	p2 =	por !p2, p0  }
0x20: {  	[sflag:s8] =	ssyncset.s32 @!p0 $0xFFFFF086;
	s6 =	sadd.s32 @!p0 s3, s7;
	s7 =	simm.s32 @!p0 $0x108  }
0x21: {  	s3 =	sadd.s32 s3, s9;
	s6 =	sadd.s32 @!p0 $0x88, s6;
	s7 =	simm.s32 @p2 $0x1082  }
0x22: {  	[simem:s7], [sflag:s8] =	dma.local @!p0 [hbm:s6], $0xF7A  }
0x23: {  	s9 =	sor.u32 $0xD0000000, s2;
	s6 =	simm.s32 $0x108;
	_ =	swait.ge @!p0 [sflag:s8], $0x0  }
0x24: {  	s3 =	sadd.s32 $0x88, s3;
	s6 =	simm.s32 @!p1 $0x1082;
	[sflag:s4] =	ssyncset.s32 $0xFFFFF086  }
0x25: {  	[simem:s6], [sflag:s4] =	dma.local [hbm:s3], $0xF7A  }
0x26: {  	[smem:$0x3F92] =	sst s1;
	(tag) =	ssettag s2;
	_ =	strace s9  }
0x27: {  	s1 =	sld [smem:$0x3FA2]  }
0x28: {  	s2 =	sld [smem:$0x3FA3]  }
0x29: {  	s4 =	sld [smem:$0x3FA5]  }
0x2a: {  	p0 =	seq.s32 s5, $0x0;
	s5 =	sld [smem:$0x3FA6]  }
0x2b: {  	s6 =	sld [smem:$0x3FA7]  }
0x2c: {  	s7 =	sld [smem:$0x3FA8]  }
0x2d: {  	s3 =	simm.s32 $0x108;
	s8 =	sld [smem:$0x3FA9]  }
0x2e: {  	s3 =	simm.s32 @!p0 $0x1082;
	s9 =	sld [smem:$0x3FAA]  }
0x2f: {  	lr =	sadd.s32 s0, s3;
	s0 =	sld [smem:$0x3FA1]  }
0x30: {  	s3 =	sld [smem:$0x3FA4]  }
0x31: {  	[smem:$0x3FAD] =	sst s10  }
0x32: {  	s10 =	sld [smem:$0x3FAB];
	_ =	sdelay $0x3  }
0x33: {  	p0 =	seq.s32 s10, $0x1;
	s10 =	sld [smem:$0x3FAD];
	_ =	sdelay $0x3  }
0x34: {  	[smem:$0x3FAD] =	sst s10  }
0x35: {  	s10 =	sld [smem:$0x3FAC];
	_ =	sdelay $0x3  }
0x36: {  	p1 =	seq.s32 s10, $0x1;
	s10 =	sld [smem:$0x3FAD];
	_ =	sdelay $0x3  }
0x37: {  	[smem:$0x3FAD] =	sst s10  }
0x38: {  	s10 =	sld [smem:$0x3FAE]  }
0x39: {  	_ = 	snop;
	(pc) =	sbr.ind lr, $3  }
0x3a: {  	_ = 	snop  }
0x3b: {  	_ = 	snop  }
0x3c: {  	p2 =	seq.s32 s10, $0x1;
	s10 =	sld [smem:$0x3FAD]  }
0x3d: {  	_ =	shalt  }
0x3e: {  	_ =	shalt  }
0x3f: {  	_ =	shalt  }
0x40: {  	_ =	shalt  }
0x41: {  	_ =	shalt  }
0x42: {  	_ =	shalt  }
0x43: {  	_ =	shalt  }
0x44: {  	_ =	shalt  }
0x45: {  	_ =	shalt  }
0x46: {  	_ =	shalt  }
0x47: {  	_ =	shalt  }
0x48: {  	_ =	shalt  }
0x49: {  	_ =	shalt  }
0x4a: {  	_ =	shalt  }
0x4b: {  	_ =	shalt  }
0x4c: {  	_ =	shalt  }
0x4d: {  	_ =	shalt  }
0x4e: {  	_ =	shalt  }
0x4f: {  	_ =	shalt  }
0x50: {  	_ =	shalt  }
0x51: {  	_ =	shalt  }
0x52: {  	_ =	shalt  }
0x53: {  	_ =	shalt  }
0x54: {  	_ =	shalt  }
0x55: {  	_ =	shalt  }
0x56: {  	_ =	shalt  }
0x57: {  	_ =	shalt  }
0x58: {  	_ =	shalt  }
0x59: {  	_ =	shalt  }
0x5a: {  	_ =	shalt  }
0x5b: {  	_ =	shalt  }
0x5c: {  	_ =	shalt  }
0x5d: {  	_ =	shalt  }
0x5e: {  	_ =	shalt  }
0x5f: {  	_ =	shalt  }
0x60: {  	_ =	shalt  }
0x61: {  	_ =	shalt  }
0x62: {  	_ =	shalt  }
0x63: {  	_ =	shalt  }
0x64: {  	_ =	shalt  }
0x65: {  	_ =	shalt  }
0x66: {  	_ =	shalt  }
0x67: {  	_ =	shalt  }
0x68: {  	_ =	shalt  }
0x69: {  	_ =	shalt  }
0x6a: {  	_ =	shalt  }
0x6b: {  	_ =	shalt  }
0x6c: {  	_ =	shalt  }
0x6d: {  	_ =	shalt  }
0x6e: {  	_ =	shalt  }
0x6f: {  	_ =	shalt  }
0x70: {  	_ =	shalt  }
0x71: {  	_ =	shalt  }
0x72: {  	_ =	shalt  }
0x73: {  	_ =	shalt  }
0x74: {  	_ =	shalt  }
0x75: {  	_ =	shalt  }
0x76: {  	_ =	shalt  }
0x77: {  	_ =	shalt  }
0x78: {  	_ =	shalt  }
0x79: {  	_ =	shalt  }
0x7a: {  	_ =	shalt  }
0x7b: {  	_ =	shalt  }
0x7c: {  	_ =	shalt  }
0x7d: {  	_ =	shalt  }
0x7e: {  	_ =	shalt  }
0x7f: {  	_ =	shalt  }
0x80: {  	_ =	shalt  }
0x81: {  	_ =	shalt  }
0x82: {  	_ =	shalt  }
0x83: {  	_ =	shalt  }
0x84: {  	_ =	shalt  }
0x85: {  	_ =	shalt  }
0x86: {  	_ =	shalt  }
0x87: {  	_ =	shalt  }
.Lfunc_end0:
.L_simem_size_0:
called_computation_lowered:
.L_overlay_start_0:
0x88: {  	s2 =	sld [smem:$0x3FD9]  }
0x89: {  	s3 =	sld [smem:$0x3FFE];
	_ =	sdelay $0x1  }
0x8a: {  	s1 =	srdreg.scid  }
0x8b: {  	s0 =	sand.u32 $0x1, s1  }
0x8c: {  	s16 =	sshll.u32 s0, $0xA;
	s2 =	sadd.s32 s3, s2  }
0x8d: {  	s2 =	sadd.s32 s2, s16  }
0x8e: {  	[smem:$0x3FB9] =	sst s2  }
0x8f: {  	_ = 	snop  }
0x90: {  	(tm) =	ssettm $0x1  }
0x91: {  	s17 =	sld [smem:$0x3FFB];
	_ =	sdelay $0x3  }
0x92: {  	_ =	strace s17  }
0x93: {  	s2 =	sld [smem:$0x3FFC];
	_ =	sdelay $0x3  }
0x94: {  	_ =	strace s2  }
0x95: {  	s2 =	sld [smem:$0x3FFD];
	_ =	sdelay $0x3  }
0x96: {  	_ =	strace s2  }
0x97: {  	_ =	strace $0x8FFFFFFF  }
0x98: {  	s18 =	sld [smem:$0x3FDB];
	_ =	sdelay $0x1  }
0x99: {  	s19 =	simm.s32 $_scs_section_size  }
0x9a: {  	s4 =	simm.s32 $_size__tile_overlayer_lowered;
	s5 =	simm.s32 $_tile_overlayer_lowered  }
0x9b: {  	s22 =	simm.s32 $0x1BFF;
	s21 =	sshll.u32 s5, $0x1;
	s2 =	sadd.s32 s19, s18  }
0x9c: {  	s6 =	simm.s32 $0x0;
	s20 =	sshll.u32 s4, $0x1;
	s4 =	sadd.s32 s21, s2  }
0x9d: {  	[timem:s6], [sflag:s22] =	dma.local [hbm:s4], s20  }
0x9e: {  	_ =	swait.ge [sflag:s22], s20  }
0x9f: {  	s3 =	ssub.s32 $0x0, s20;
	[sflag:s22] =	ssyncset.done $0x0  }
0xa0: {  	[sflag:s22] =	ssyncadd.s32 s3;
	_ =	sdelay $0x1  }
0xa1: {  	s23 =	simm.s32 $0x1B8B  }
0xa2: {  	_ =	swait.ge [sflag:s23], $0x1  }
0xa3: {  	[sflag:s23] =	ssyncset.done $0x0  }
0xa4: {  	s25 =	simm.s32 $0x1B8E;
	s24 =	sld [smem:$0x3FFE];
	[sflag:s23] =	ssyncadd.s32 $0xFFFFFFFF  }
0xa5: {  	s26 =	simm.s32 $execute0_lowered;
	[smem:$0x3FD2] =	sst s25  }
0xa6: {  	s4 =	sshll.u32 s26, $0x1;
	_ =	strace $0x80000046;
	[dreg:$0x1] =	wrdreg $0xFFFFFFFF  }
0xa7: {  	s28 =	simm.s32 $_size_execute0_lowered;
	s2 =	sadd.s32 s2, s4;
	[dreg:$0x0] =	wrdreg $0x0  }
0xa8: {  	s4 =	sshll.u32 s28, $0x1;
	[dreg:$0x2] =	wrdreg s2  }
0xa9: {  	[dreg:$0x3] =	wrdreg s4  }
0xaa: {  	[dreg:$0x4] =	wrdreg $0xC0  }
0xab: {  	_ =	task [dreg:s6], $0x5FFFF  }
0xac: {  	[dreg:$0x1] =	wrdreg $0xFFFFFFFF  }
0xad: {  	[dreg:$0x0] =	wrdreg $0x60  }
0xae: {  	[dreg:$0x2] =	wrdreg s24  }
0xaf: {  	[dreg:$0x3] =	wrdreg $0x9  }
0xb0: {  	_ =	task.clear_ibuf [dreg:s6], $0x4FFFF;
	_ =	strace $0x90000046  }
0xb1: {  	s29 =	simm.s32 $0x9;
	_ =	strace $0x80000048  }
0xb2: {  	_ =	swait.ge [sflag:s29], $0x1  }
0xb3: {  	[sflag:s29] =	ssyncadd.s32 $0xFFFFFFFF  }
0xb4: {  	_ =	strace $0x90000048  }
0xb5: {  	_ =	sfence  }
0xb6: {  	s30 =	sld [smem:$0x0];
	_ =	sdelay $0x2  }
0xb7: {  	s31 =	sshll.u32 s1, $0xD;
	s1 =	sshrl.u32 s1, $0x2  }
0xb8: {  	s3 =	sand.u32 $0x4000, s31;
	s1 =	sadd.s32 s1, s30  }
0xb9: {  	s0 =	sor.u32 s3, s0;
	s1 =	sshll.u32 s1, $0x11  }
0xba: {  	s0 =	sor.u32 s1, s0  }
0xbb: {  	s0 =	sadd.s32 $0x8F2B, s0  }
0xbc: {  	[sflag:s0] =	ssyncadd.remote.s32 $0x1  }
0xbd: {  	_ =	sfence.sel $0xFFFF  }
0xbe: {  	[dreg:$0x0] =	wrdreg $0xFFFFFFFF;
	(pc) =	sbr.abs _section_cstart, $3  }
0xbf: {  	[dreg:$0x1] =	wrdreg $0xFFFFFFFF  }
0xc0: {  	_ =	task.clear_ibuf [dreg:s6], $0x2FFFF;
	_ =	strace $0x9FFFFFFF  }
0xc1: {  	(tm) =	ssettm $0x7FFFFFFF  }
tec
execute0_lowered:
.L_overlay_start_1:
0x0: {  	(tag) =	ssettag $0x1  }
0x1: {  	s4 =	rddreg [dreg:$0x0]  }
0x2: {  	s0 =	rddreg [dreg:$0x1]  }
0x3: {  	s3 =	srdreg.scid;
	s1 =	stileid.u32  }
0x4: {  	s2 =	simm.s32 $0x0;
	s14 =	simm.s32 $0x2D00;
	s10 =	smul.u32 $0x68000, s1  }
0x5: {  	s15 =	simm.s32 $0x2;
	s5 =	sand.u32 $0x1, s3;
	s25 =	smul.u32 $0x1A00, s1  }
0x6: {  	s16 =	simm.s32 $0xC80;
	s24 =	sshll.u32 s1, $0x1;
	s12 =	smul.u32 $0x34000, s5  }
0x7: {  	s17 =	simm.s32 $0x0;
	s6 =	sor.u32 s5, s24;
	s28 =	smul.u32 $0xD00, s5  }
0x8: {  	[smem:$0x7FF] =	sst s2;
	s3 =	sadd.s32 $0xF44600, s4;
	s7 =	smul.u32 $0xD00, s6  }
0x9: {  	s13 =	sadd.s32 $0x5600, s4;
	s9 =	ssub.s32 $0x2, s5;
	s8 =	smul.u32 $0x34000, s6  }
0xa: {  	_ =	strace $0x80000047;
	s11 =	sshrl.u32 s9, $0x1;
	s29 =	smul.u32 $0x6800, s6  }
0xb: {  	s9 =	ssub.s32 s9, s11;
	s30 =	sadd.s32 s12, s10;
	s12 =	simm.s32 $0x1  }
0xc: {  	s7 =	sshrl.u32 s7, $0x3;
	s26 =	sshrl.u32 s8, $0x3;
	s5 =	smax.u32 s9, $0x1  }
0xd: {  	s8 =	sadd.s32 s28, s25;
	s9 =	sadd.s32 s13, s29;
	s10 =	sshrl.u32 s30, $0x3  }
0xe: {  	s7 =	sadd.s32 s7, s4;
	s11 =	sshll.u32 s8, $0x3;
	s8 =	sadd.s32 s10, s13  }
0xf: {  	s10 =	simm.s32 $0x3;
	s4 =	sadd.s32 $0x2200, s7;
	s7 =	sadd.s32 s13, s26  }
0x10: {  	s31 =	sadd.s32 s11, s13;
	s11 =	simm.s32 $0xD00;
	s13 =	simm.s32 $0x80  }
0x11: {  	s6 =	sadd.s32 $0x6000, s7;
	s7 =	sadd.s32 $0x6400, s9;
	s9 =	sadd.s32 $0x400, s31  }
.LBB2_1:
0x12: {  	[tilespmem:s2], [sflag:$0x3] =	stream.linear.gather [hbm4b:s4+s2], $0xD00, $0x38;
	[tilespmem:$0x4D00] =	vst v63  }
0x13: {  	_ =	swait.ge [sflag:s10], $0xD00  }
0x14: {  	[sflag:s10] =	ssyncset.done $0x0  }
0x15: {  	[sflag:s10] =	ssyncadd.s32 $0xFFFFF300  }
0x16: {  	[tilespmem:s11], [sflag:$0x1] =	stream.indirect.gather [hbm4b:s3+s13], $0x40, s2, s13, $0xb8;
	[tilespmem:$0x4D00] =	vst v63  }
0x17: {  	_ =	swait.ge [sflag:s12], $0x2000  }
0x18: {  	[sflag:s12] =	ssyncset.done $0x0  }
0x19: {  	[sflag:s12] =	ssyncadd.s32 $0xFFFFE000  }
0x1a: {  	[tilespmem:s14], [sflag:$0x2] =	stream.indirect.gather [hbm4b:s3+s13], $0x40, s13, s13, $0xb8;
	[tilespmem:$0x4D00] =	vst v63  }
0x1b: {  	s18 =	sadd.s32 $0x0, s8  }
0x1c: {  	[hbm4b:s18+s2] =	stream.linear.scatter [tilespmem:s11], [sflag:$0x3], $0x2000, $0x38;
	[tilespmem:$0x4D00] =	vst v63  }
0x1d: {  	_ =	swait.ge [sflag:s10], $0x2000  }
0x1e: {  	[sflag:s10] =	ssyncset.done $0x0  }
0x1f: {  	[sflag:s10] =	ssyncadd.s32 $0xFFFFE000  }
0x20: {  	_ =	swait.ge [sflag:s15], $0x2000  }
0x21: {  	[sflag:s15] =	ssyncset.done $0x0  }
0x22: {  	s30 =	simm.s32 $0x100;
	[sflag:s15] =	ssyncadd.s32 $0xFFFFE000  }
0x23: {  	[tilespmem:s11], [sflag:$0x1] =	stream.indirect.gather [hbm4b:s3+s13], $0x40, s30, s13, $0xb8;
	[tilespmem:$0x4D00] =	vst v63  }
0x24: {  	s31 =	sadd.s32 $0x0, s9  }
0x25: {  	[hbm4b:s31+s2] =	stream.linear.scatter [tilespmem:s14], [sflag:$0x3], $0x2000, $0x38;
	[tilespmem:$0x4D00] =	vst v63  }
0x26: {  	_ =	swait.ge [sflag:s10], $0x2000  }
0x27: {  	s19 =	simm.s32 $0x80;
	s18 =	simm.s32 $0x800;
	[sflag:s10] =	ssyncset.done $0x0  }
.LBB2_2:
0x28: {  	p0 =	sne.s32 s18, $0x5800;
	[sflag:s10] =	ssyncadd.s32 $0xFFFFE000;
	s19 =	sadd.s32 $0x100, s19  }
0x29: {  	s20 =	smov.u32 s18;
	s18 =	sadd.s32 $0x800, s18  }
0x2a: {  	_ =	swait.ge [sflag:s12], $0x2000  }
0x2b: {  	[sflag:s12] =	ssyncset.done $0x0  }
0x2c: {  	[sflag:s12] =	ssyncadd.s32 $0xFFFFE000  }
0x2d: {  	[tilespmem:s14], [sflag:$0x2] =	stream.indirect.gather [hbm4b:s3+s13], $0x40, s19, s13, $0xb8;
	[tilespmem:$0x4D00] =	vst v63  }
0x2e: {  	s21 =	sadd.s32 s20, s8  }
0x2f: {  	[hbm4b:s21+s2] =	stream.linear.scatter [tilespmem:s11], [sflag:$0x3], $0x2000, $0x38;
	[tilespmem:$0x4D00] =	vst v63  }
0x30: {  	_ =	swait.ge [sflag:s10], $0x2000  }
0x31: {  	[sflag:s10] =	ssyncset.done $0x0  }
0x32: {  	[sflag:s10] =	ssyncadd.s32 $0xFFFFE000  }
0x33: {  	_ =	swait.ge [sflag:s15], $0x2000  }
0x34: {  	[sflag:s15] =	ssyncset.done $0x0  }
0x35: {  	s21 =	sadd.s32 $0x80, s19;
	[sflag:s15] =	ssyncadd.s32 $0xFFFFE000  }
0x36: {  	[tilespmem:s11], [sflag:$0x1] =	stream.indirect.gather [hbm4b:s3+s13], $0x40, s21, s13, $0xb8;
	[tilespmem:$0x4D00] =	vst v63  }
.Ltmp0:
0x37: {  	_ = 	snop;
	(pc) =	sbr.rel @p0 .LBB2_2-.Ltmp0, $4  }
0x38: {  	s20 =	sadd.s32 s20, s9  }
0x39: {  	[hbm4b:s20+s2] =	stream.linear.scatter [tilespmem:s14], [sflag:$0x3], $0x2000, $0x38;
	[tilespmem:$0x4D00] =	vst v63  }
0x3a: {  	_ =	swait.ge [sflag:s10], $0x2000  }
0x3b: {  	[sflag:s10] =	ssyncset.done $0x0  }
0x3c: {  	[sflag:s10] =	ssyncadd.s32 $0xFFFFE000  }
0x3d: {  	_ =	swait.ge [sflag:s12], $0x2000  }
0x3e: {  	[sflag:s12] =	ssyncset.done $0x0  }
0x3f: {  	[sflag:s12] =	ssyncadd.s32 $0xFFFFE000  }
0x40: {  	[tilespmem:s14], [sflag:$0x2] =	stream.indirect.gather [hbm4b:s3+s13], $0x40, s16, s13, $0xb8;
	[tilespmem:$0x4D00] =	vst v63  }
0x41: {  	_ = 	snop  }
0x42: {  	[hbm4b:s6+s2] =	stream.linear.scatter [tilespmem:s11], [sflag:$0x3], $0x2000, $0x38;
	[tilespmem:$0x4D00] =	vst v63  }
0x43: {  	_ =	swait.ge [sflag:s10], $0x2000  }
0x44: {  	[sflag:s10] =	ssyncset.done $0x0  }
0x45: {  	[sflag:s10] =	ssyncadd.s32 $0xFFFFE000  }
0x46: {  	s17 =	sadd.s32 $0x1, s17;
	_ =	swait.ge [sflag:s15], $0x2000  }
0x47: {  	p0 =	sne.s32 s17, s5;
	[sflag:s15] =	ssyncset.done $0x0  }
.Ltmp1:
0x48: {  	[sflag:s15] =	ssyncadd.s32 $0xFFFFE000;
	(pc) =	sbr.rel @p0 .LBB2_1-.Ltmp1, $4  }
0x49: {  	[hbm4b:s7+s2] =	stream.linear.scatter [tilespmem:s14], [sflag:$0x3], $0x2000, $0x38;
	[tilespmem:$0x4D00] =	vst v63  }
0x4a: {  	_ =	swait.ge [sflag:s10], $0x2000  }
0x4b: {  	[sflag:s10] =	ssyncset.done $0x0  }
0x4c: {  	[sflag:s10] =	ssyncadd.s32 $0xFFFFE000  }
0x4d: {  	_ =	sfence.sel $0x180000  }
0x4e: {  	[bflag:$0x0] =	sbarrier.arrive $0xFFFF  }
0x4f: {  	p0 =	sne.s32 s1, $0x0;
	_ =	strace $0x90000047  }
0x50: {  	s0 =	sadd.s32 @!p0 $0x100000, s0;
	[bflag:$0x2] =	sbarrier.arrive $0xFFFF  }
0x51: {  	[sflag:s0] =	ssyncadd.tile.s32 @!p0 $0x1;
	_ =	shalt  }
.Lfunc_end2:
_tile_overlayer_lowered:
.L_overlay_start_2:
0x52: {  	(tag) =	ssettag $0x2  }
0x53: {  	s0 =	rddreg [dreg:$0x0];
	s2 =	stileid.u32  }
0x54: {  	s1 =	rddreg [dreg:$0x1];
	p0 =	sne.s32 s2, $0x0  }
0x55: {  	s3 =	rddreg [dreg:$0x2];
	[bflag:$0x3] =	sbarrier.arrive $0xFFFF;
	s2 =	simm.s32 @!p0 $0x1C03  }
0x56: {  	[timem:s3], [sflag:s2] =	dma.local @!p0 [hbm:s0], s1  }
0x57: {  	s0 =	simm.s32 @!p0 $0x3  }
0x58: {  	_ =	swait.ge @!p0 [sflag:s0], s1  }
0x59: {  	s1 =	ssub.s32 @!p0 $0x0, s1;
	[sflag:s0] =	ssyncset.done @!p0 $0x0  }
0x5a: {  	[sflag:s0] =	ssyncadd.s32 @!p0 s1  }
0x5b: {  	[bflag:$0x3] =	sbarrier.arrive $0xFFFF  }
0x5c: {  	_ =	shalt  }

</sc_bundles>
